<compile_context>
chip_gen: v7x
topology: tpu7x:2x2x1
jax: 0.10.2.dev20260603
libtpu: 0.0.44.dev20260713+nightly
codegen_flags: <defaults>
</compile_context>

<pallas_src>
import jax
import jax.numpy as jnp
from jax import lax
from jax.experimental import pallas as pl
from jax.experimental.pallas import tpu as pltpu
from jax.experimental.pallas import tpu_sc as plsc

R = 16384
C = 64
S = 64
EPS = 1e-5

NC, NS = 2, 16
NW = NC * NS
RPW = R // NW
CH = 128
NCH = RPW // CH

_DN = lax.GatherDimensionNumbers(
    offset_dims=(), collapsed_slice_dims=(0,), start_index_map=(0,)
)


def _dg(x, i):
    return lax.gather(x, i[:, None], _DN, slice_sizes=(1,),
                      mode=lax.GatherScatterMode.PROMISE_IN_BOUNDS)


def _body(del_hbm, den_hbm, bins_hbm, u_hbm, out_hbm,
          del_v, den_v, bins_v, u_v, cdf_v, out_v):
    wid = lax.axis_index("s") * NC + lax.axis_index("c")
    lanes = lax.broadcasted_iota(jnp.int32, (16,), 0)
    flanes = lanes.astype(jnp.float32)
    l15 = jnp.full((16,), 15, jnp.int32)

    def chunk_body(k, carry):
        base = wid * RPW + k * CH
        pltpu.sync_copy(del_hbm.at[pl.ds(base, CH)], del_v)
        pltpu.sync_copy(den_hbm.at[pl.ds(base, CH)], den_v)
        pltpu.sync_copy(bins_hbm.at[pl.ds(base, CH)], bins_v)
        pltpu.sync_copy(u_hbm.at[pl.ds(base, CH)], u_v)

        @plsc.parallel_loop(0, CH, 1, unroll=4)
        def ray_body(r):
            ro = r * C
            rv = jnp.full((16,), r, jnp.int32)
            css = []
            for c in range(4):
                sl = pl.ds(c * 16, 16)
                css.append(plsc.cumsum(del_v[r, sl] * den_v[r, sl]))
            carry = jnp.zeros((16,), jnp.float32)
            Es = []
            for c in range(4):
                T = css[c] + carry
                carry = _dg(T, l15)
                Es.append(jnp.exp(-T))
            ws = 1.0 - _dg(Es[3], l15)
            pad = jnp.maximum(EPS - ws, 0.0)
            p64 = pad * (1.0 / 64.0)
            inv = 1.0 / (ws + pad)
            vals = []
            for c in range(4):
                j1 = flanes + jnp.float32(c * 16 + 1)
                v = jnp.minimum((1.0 - Es[c] + j1 * p64) * inv, 1.0)
                vals.append(v)
                cdf_v[pl.ds(ro + c * 16, 16)] = v
            t0 = _dg(vals[0], l15)
            t1 = _dg(vals[1], l15)
            t2 = _dg(vals[2], l15)
            for sb in range(4):
                u = u_v[r, pl.ds(sb * 16, 16)]
                cnt = (jnp.where(t0 <= u, 16, 0)
                       + jnp.where(t1 <= u, 16, 0)
                       + jnp.where(t2 <= u, 16, 0))
                for step in (8, 4, 2, 1, 1):
                    v = plsc.load_gather(cdf_v, [cnt + (ro + step - 1)])
                    cnt = jnp.where(v <= u, cnt + step, cnt)
                g0 = plsc.load_gather(cdf_v, [jnp.maximum(cnt - 1, 0) + ro])
                g0 = jnp.where(cnt == 0, 0.0, g0)
                g1 = plsc.load_gather(cdf_v, [jnp.minimum(cnt, 63) + ro])
                b0 = plsc.load_gather(bins_v, [rv, cnt])
                b1 = plsc.load_gather(bins_v, [rv, jnp.minimum(cnt + 1, 64)])
                denom = g1 - g0
                denom = jnp.where(denom < EPS, 1.0, denom)
                t = (u - g0) / denom
                out_v[r, pl.ds(sb * 16, 16)] = b0 + t * (b1 - b0)

        pltpu.sync_copy(out_v, out_hbm.at[pl.ds(base, CH)])
        return carry

    lax.fori_loop(0, NCH, chunk_body, 0)


_sampler = pl.kernel(
    _body,
    out_type=jax.ShapeDtypeStruct((R, S), jnp.float32),
    mesh=plsc.VectorSubcoreMesh(
        core_axis_name="c", subcore_axis_name="s", num_cores=NC, num_subcores=NS
    ),
    scratch_types=[
        pltpu.VMEM((CH, C), jnp.float32),
        pltpu.VMEM((CH, C), jnp.float32),
        pltpu.VMEM((CH, C + 1), jnp.float32),
        pltpu.VMEM((CH, S), jnp.float32),
        pltpu.VMEM((CH * C,), jnp.float32),
        pltpu.VMEM((CH, S), jnp.float32),
    ],
    compiler_params=pltpu.CompilerParams(
        needs_layout_passes=False, use_tc_tiling_on_sc=True
    ),
)


def kernel(deltas, density, bins, u):
    return _sampler(deltas, density[..., 0], bins, u)

# --- scband reference (transcript-rebuilt; emitter-appended) ---
"""Pipeline reference for scband-pdfsampler-14542759264888 (READ-ONLY COPY).

The authoritative reference and input builder live on the scoring server;
editing this copy changes nothing except your own understanding.
"""

import jax, jax.numpy as jnp
import numpy as np

NUM_RAYS = 16384
NUM_COARSE = 64
NUM_SAMPLES = 64
EPS = 1e-05


def setup_inputs(seed: int = 0) -> dict:
    key = jax.random.key(seed)
    k1, k2, k3, k4 = jax.random.split(key, 4)
    deltas = jax.random.uniform(k1, (NUM_RAYS, NUM_COARSE), dtype=jnp.float32)
    density = jax.random.uniform(k2, (NUM_RAYS, NUM_COARSE, 1), dtype=jnp.float32)
    # bins must be monotonically increasing along a ray
    bins = jnp.sort(jax.random.uniform(k3, (NUM_RAYS, NUM_COARSE + 1), dtype=jnp.float32), axis=-1)
    # u plays the role of torch.rand inside forward (randomized=True path)
    u = jax.random.uniform(k4, (NUM_RAYS, NUM_SAMPLES), dtype=jnp.float32)
    return {"deltas": deltas, "density": density, "bins": bins, "u": u}


def reference(deltas, density, bins, u):
    eps = EPS
    # delta_density = deltas * density[..., 0]
    delta_density = deltas * density[..., 0]
    alphas = 1.0 - jnp.exp(-delta_density)
    transmittance = jnp.cumsum(delta_density[..., :-1], axis=-1)
    transmittance = jnp.concatenate(
        [jnp.zeros((transmittance.shape[0], 1), dtype=transmittance.dtype), transmittance], axis=-1
    )
    transmittance = jnp.exp(-transmittance)
    weights = alphas * transmittance
    weights_sum = jnp.sum(weights, axis=-1, keepdims=True)
    padding = jax.nn.relu(eps - weights_sum)
    weights = weights + padding / weights.shape[-1]
    weights_sum = weights_sum + padding
    pdf = weights / weights_sum
    cdf = jnp.minimum(jnp.ones_like(pdf), jnp.cumsum(pdf, axis=-1))
    cdf = jnp.concatenate([jnp.zeros_like(cdf[..., :1]), cdf], axis=-1)
    # searchsorted per-ray (torch.searchsorted is batched; jnp version is 1-D, so vmap)
    indices = jax.vmap(lambda c, uu: jnp.searchsorted(c, uu, side="right"))(cdf, u)
    below = jnp.maximum(jnp.zeros_like(indices), indices - 1)
    above = jnp.minimum((cdf.shape[-1] - 1) * jnp.ones_like(indices), indices)
    # gather (equivalent to torch.gather on the expanded tensors)
    cdf_g0 = jnp.take_along_axis(cdf, below, axis=-1)
    cdf_g1 = jnp.take_along_axis(cdf, above, axis=-1)
    bins_g0 = jnp.take_along_axis(bins, below, axis=-1)
    bins_g1 = jnp.take_along_axis(bins, above, axis=-1)
    denom = cdf_g1 - cdf_g0
    denom = jnp.where(denom < eps, jnp.ones_like(denom), denom)
    t = (u - cdf_g0) / denom
    samples = bins_g0 + t * (bins_g1 - bins_g0)
    return samples

if __name__ == "__main__":
    import jax
    _d = setup_inputs()
    print(jax.jit(kernel)(*tuple(_d.values())))

</pallas_src>

<mosaic_0001>
#map = affine_map<(d0, d1) -> (0, 0)>
module attributes {stable_mosaic.version = 14 : i64} {
  func.func @_body(%arg0: i32, %arg1: i32, %arg2: memref<16384x64xf32, #tpu.memory_space<hbm>>, %arg3: memref<16384x64xf32, #tpu.memory_space<hbm>>, %arg4: memref<16384x65xf32, #tpu.memory_space<hbm>>, %arg5: memref<16384x64xf32, #tpu.memory_space<hbm>>, %arg6: memref<16384x64xf32, #tpu.memory_space<hbm>>, %arg7: memref<128x64xf32, #tpu.memory_space<vmem>>, %arg8: memref<128x64xf32, #tpu.memory_space<vmem>>, %arg9: memref<128x65xf32, #tpu.memory_space<vmem>>, %arg10: memref<128x64xf32, #tpu.memory_space<vmem>>, %arg11: memref<8192xf32, #tpu.memory_space<vmem>>, %arg12: memref<128x64xf32, #tpu.memory_space<vmem>>) attributes {dimension_semantics = [#tpu.dimension_semantics<core_parallel>, #tpu.dimension_semantics<subcore_parallel>], iteration_bounds = array<i64: 2, 16>, scalar_prefetch = 0 : i64, scratch_operands = 6 : i64, tpu.core_type = #tpu.core_type<sc_vector_subcore>, window_params = [{transform_indices = #map}, {transform_indices = #map}, {transform_indices = #map}, {transform_indices = #map}, {transform_indices = #map}]} {
    %mul3A = arith.constant 2 : i32
    %mul3A_0 = arith.muli %arg1, %mul3A : i32
    %add3A = arith.addi %mul3A_0, %arg0 : i32
    %iota3A = tpu.iota {dimensions = array<i32: 0>} : vector<16xi32>
    %convert_element_type3A = arith.sitofp %iota3A : vector<16xi32> to vector<16xf32>
    %broadcast_in_dim3A = arith.constant 15 : i32
    %broadcast_in_dim3A_1 = vector.broadcast %broadcast_in_dim3A : i32 to vector<16xi32>
    %scan3A = arith.constant 0 : i32
    %scan3A_2 = arith.constant 0 : i32
    %scan3A_3 = arith.constant 4 : i32
    %scan3A_4 = arith.addi %scan3A_2, %scan3A_3 : i32
    %scan3A_5 = arith.constant 1 : i32
    scf.for %scan3A_7 = %scan3A_2 to %scan3A_4 step %scan3A_5  : i32 {
      %mul3A_8 = arith.constant 512 : i32
      %mul3A_9 = arith.muli %add3A, %mul3A_8 : i32
      %mul3A_10 = arith.constant 128 : i32
      %mul3A_11 = arith.muli %scan3A_7, %mul3A_10 : i32
      %add3A_12 = arith.addi %mul3A_9, %mul3A_11 : i32
      "tpu.region"() ({
        %run_scoped3A = tpu.sem_alloc : memref<!tpu.dma_semaphore, #tpu.memory_space<semaphore_mem>>
        %dma_start3A = arith.constant 0 : i32
        %dma_start3A_15 = tpu.memref_slice %arg2[%add3A_12, %dma_start3A] : memref<16384x64xf32, #tpu.memory_space<hbm>> -> memref<128x64xf32, #tpu.memory_space<hbm>>
        %dma_start3A_16 = arith.constant 0 : i32
        %dma_start3A_17 = tpu.memref_slice %arg2[%add3A_12, %dma_start3A_16] : memref<16384x64xf32, #tpu.memory_space<hbm>> -> memref<128x64xf32, #tpu.memory_space<hbm>>
        tpu.enqueue_dma source(%dma_start3A_17 : memref<128x64xf32, #tpu.memory_space<hbm>>) target(%arg7 : memref<128x64xf32, #tpu.memory_space<vmem>>) target_semaphore(%run_scoped3A : memref<!tpu.dma_semaphore, #tpu.memory_space<semaphore_mem>>)
        %dma_wait3A = arith.constant 0 : i32
        %dma_wait3A_18 = tpu.memref_slice %arg2[%add3A_12, %dma_wait3A] : memref<16384x64xf32, #tpu.memory_space<hbm>> -> memref<128x64xf32, #tpu.memory_space<hbm>>
        %dma_wait3A_19 = arith.constant 0 : i32
        %dma_wait3A_20 = tpu.memref_slice %arg2[%add3A_12, %dma_wait3A_19] : memref<16384x64xf32, #tpu.memory_space<hbm>> -> memref<128x64xf32, #tpu.memory_space<hbm>>
        tpu.wait_dma2 semaphore(%run_scoped3A : memref<!tpu.dma_semaphore, #tpu.memory_space<semaphore_mem>>) src(%dma_wait3A_20 : memref<128x64xf32, #tpu.memory_space<hbm>>) dst(%arg7 : memref<128x64xf32, #tpu.memory_space<vmem>>)
        tpu.yield
      }) : () -> ()
      "tpu.region"() ({
        %run_scoped3A = tpu.sem_alloc : memref<!tpu.dma_semaphore, #tpu.memory_space<semaphore_mem>>
        %dma_start3A = arith.constant 0 : i32
        %dma_start3A_15 = tpu.memref_slice %arg3[%add3A_12, %dma_start3A] : memref<16384x64xf32, #tpu.memory_space<hbm>> -> memref<128x64xf32, #tpu.memory_space<hbm>>
        %dma_start3A_16 = arith.constant 0 : i32
        %dma_start3A_17 = tpu.memref_slice %arg3[%add3A_12, %dma_start3A_16] : memref<16384x64xf32, #tpu.memory_space<hbm>> -> memref<128x64xf32, #tpu.memory_space<hbm>>
        tpu.enqueue_dma source(%dma_start3A_17 : memref<128x64xf32, #tpu.memory_space<hbm>>) target(%arg8 : memref<128x64xf32, #tpu.memory_space<vmem>>) target_semaphore(%run_scoped3A : memref<!tpu.dma_semaphore, #tpu.memory_space<semaphore_mem>>)
        %dma_wait3A = arith.constant 0 : i32
        %dma_wait3A_18 = tpu.memref_slice %arg3[%add3A_12, %dma_wait3A] : memref<16384x64xf32, #tpu.memory_space<hbm>> -> memref<128x64xf32, #tpu.memory_space<hbm>>
        %dma_wait3A_19 = arith.constant 0 : i32
        %dma_wait3A_20 = tpu.memref_slice %arg3[%add3A_12, %dma_wait3A_19] : memref<16384x64xf32, #tpu.memory_space<hbm>> -> memref<128x64xf32, #tpu.memory_space<hbm>>
        tpu.wait_dma2 semaphore(%run_scoped3A : memref<!tpu.dma_semaphore, #tpu.memory_space<semaphore_mem>>) src(%dma_wait3A_20 : memref<128x64xf32, #tpu.memory_space<hbm>>) dst(%arg8 : memref<128x64xf32, #tpu.memory_space<vmem>>)
        tpu.yield
      }) : () -> ()
      "tpu.region"() ({
        %run_scoped3A = tpu.sem_alloc : memref<!tpu.dma_semaphore, #tpu.memory_space<semaphore_mem>>
        %dma_start3A = arith.constant 0 : i32
        %dma_start3A_15 = tpu.memref_slice %arg4[%add3A_12, %dma_start3A] : memref<16384x65xf32, #tpu.memory_space<hbm>> -> memref<128x65xf32, #tpu.memory_space<hbm>>
        %dma_start3A_16 = arith.constant 0 : i32
        %dma_start3A_17 = tpu.memref_slice %arg4[%add3A_12, %dma_start3A_16] : memref<16384x65xf32, #tpu.memory_space<hbm>> -> memref<128x65xf32, #tpu.memory_space<hbm>>
        tpu.enqueue_dma source(%dma_start3A_17 : memref<128x65xf32, #tpu.memory_space<hbm>>) target(%arg9 : memref<128x65xf32, #tpu.memory_space<vmem>>) target_semaphore(%run_scoped3A : memref<!tpu.dma_semaphore, #tpu.memory_space<semaphore_mem>>)
        %dma_wait3A = arith.constant 0 : i32
        %dma_wait3A_18 = tpu.memref_slice %arg4[%add3A_12, %dma_wait3A] : memref<16384x65xf32, #tpu.memory_space<hbm>> -> memref<128x65xf32, #tpu.memory_space<hbm>>
        %dma_wait3A_19 = arith.constant 0 : i32
        %dma_wait3A_20 = tpu.memref_slice %arg4[%add3A_12, %dma_wait3A_19] : memref<16384x65xf32, #tpu.memory_space<hbm>> -> memref<128x65xf32, #tpu.memory_space<hbm>>
        tpu.wait_dma2 semaphore(%run_scoped3A : memref<!tpu.dma_semaphore, #tpu.memory_space<semaphore_mem>>) src(%dma_wait3A_20 : memref<128x65xf32, #tpu.memory_space<hbm>>) dst(%arg9 : memref<128x65xf32, #tpu.memory_space<vmem>>)
        tpu.yield
      }) : () -> ()
      "tpu.region"() ({
        %run_scoped3A = tpu.sem_alloc : memref<!tpu.dma_semaphore, #tpu.memory_space<semaphore_mem>>
        %dma_start3A = arith.constant 0 : i32
        %dma_start3A_15 = tpu.memref_slice %arg5[%add3A_12, %dma_start3A] : memref<16384x64xf32, #tpu.memory_space<hbm>> -> memref<128x64xf32, #tpu.memory_space<hbm>>
        %dma_start3A_16 = arith.constant 0 : i32
        %dma_start3A_17 = tpu.memref_slice %arg5[%add3A_12, %dma_start3A_16] : memref<16384x64xf32, #tpu.memory_space<hbm>> -> memref<128x64xf32, #tpu.memory_space<hbm>>
        tpu.enqueue_dma source(%dma_start3A_17 : memref<128x64xf32, #tpu.memory_space<hbm>>) target(%arg10 : memref<128x64xf32, #tpu.memory_space<vmem>>) target_semaphore(%run_scoped3A : memref<!tpu.dma_semaphore, #tpu.memory_space<semaphore_mem>>)
        %dma_wait3A = arith.constant 0 : i32
        %dma_wait3A_18 = tpu.memref_slice %arg5[%add3A_12, %dma_wait3A] : memref<16384x64xf32, #tpu.memory_space<hbm>> -> memref<128x64xf32, #tpu.memory_space<hbm>>
        %dma_wait3A_19 = arith.constant 0 : i32
        %dma_wait3A_20 = tpu.memref_slice %arg5[%add3A_12, %dma_wait3A_19] : memref<16384x64xf32, #tpu.memory_space<hbm>> -> memref<128x64xf32, #tpu.memory_space<hbm>>
        tpu.wait_dma2 semaphore(%run_scoped3A : memref<!tpu.dma_semaphore, #tpu.memory_space<semaphore_mem>>) src(%dma_wait3A_20 : memref<128x64xf32, #tpu.memory_space<hbm>>) dst(%arg10 : memref<128x64xf32, #tpu.memory_space<vmem>>)
        tpu.yield
      }) : () -> ()
      %parallel_loop3A = arith.constant 0 : i32
      %parallel_loop3A_13 = arith.constant 128 : i32
      %parallel_loop3A_14 = arith.constant 1 : i32
      scf.for %parallel_loop3A_15 = %parallel_loop3A to %parallel_loop3A_13 step %parallel_loop3A_14  : i32 {
        %parallel_loop3A_16 = arith.constant 64 : i32
        %parallel_loop3A_17 = arith.muli %parallel_loop3A_15, %parallel_loop3A_16 : i32
        %parallel_loop3A_18 = vector.broadcast %parallel_loop3A_15 : i32 to vector<16xi32>
        %parallel_loop3A_19 = arith.index_cast %parallel_loop3A_15 : i32 to index
        %parallel_loop3A_20 = arith.constant 0 : index
        %parallel_loop3A_21 = tpu.vector_load %arg7[%parallel_loop3A_19, %parallel_loop3A_20] {strides = array<i32>} : memref<128x64xf32, #tpu.memory_space<vmem>>, vector<16xf32>,
        %parallel_loop3A_22 = arith.index_cast %parallel_loop3A_15 : i32 to index
        %parallel_loop3A_23 = arith.constant 0 : index
        %parallel_loop3A_24 = tpu.vector_load %arg8[%parallel_loop3A_22, %parallel_loop3A_23] {strides = array<i32>} : memref<128x64xf32, #tpu.memory_space<vmem>>, vector<16xf32>,
        %parallel_loop3A_25 = arith.mulf %parallel_loop3A_21, %parallel_loop3A_24 : vector<16xf32>
        %parallel_loop3A_26 = arith.constant true
        %parallel_loop3A_27 = vector.broadcast %parallel_loop3A_26 : i1 to vector<16xi1>
        %parallel_loop3A_28 = tpu.scan <sum>, %parallel_loop3A_25 masked %parallel_loop3A_27 : vector<16xf32>, vector<16xi1> -> vector<16xf32>
        %parallel_loop3A_29 = arith.index_cast %parallel_loop3A_15 : i32 to index
        %parallel_loop3A_30 = arith.constant 16 : index
        %parallel_loop3A_31 = tpu.vector_load %arg7[%parallel_loop3A_29, %parallel_loop3A_30] {strides = array<i32>} : memref<128x64xf32, #tpu.memory_space<vmem>>, vector<16xf32>,
        %parallel_loop3A_32 = arith.index_cast %parallel_loop3A_15 : i32 to index
        %parallel_loop3A_33 = arith.constant 16 : index
        %parallel_loop3A_34 = tpu.vector_load %arg8[%parallel_loop3A_32, %parallel_loop3A_33] {strides = array<i32>} : memref<128x64xf32, #tpu.memory_space<vmem>>, vector<16xf32>,
        %parallel_loop3A_35 = arith.mulf %parallel_loop3A_31, %parallel_loop3A_34 : vector<16xf32>
        %parallel_loop3A_36 = arith.constant true
        %parallel_loop3A_37 = vector.broadcast %parallel_loop3A_36 : i1 to vector<16xi1>
        %parallel_loop3A_38 = tpu.scan <sum>, %parallel_loop3A_35 masked %parallel_loop3A_37 : vector<16xf32>, vector<16xi1> -> vector<16xf32>
        %parallel_loop3A_39 = arith.index_cast %parallel_loop3A_15 : i32 to index
        %parallel_loop3A_40 = arith.constant 32 : index
        %parallel_loop3A_41 = tpu.vector_load %arg7[%parallel_loop3A_39, %parallel_loop3A_40] {strides = array<i32>} : memref<128x64xf32, #tpu.memory_space<vmem>>, vector<16xf32>,
        %parallel_loop3A_42 = arith.index_cast %parallel_loop3A_15 : i32 to index
        %parallel_loop3A_43 = arith.constant 32 : index
        %parallel_loop3A_44 = tpu.vector_load %arg8[%parallel_loop3A_42, %parallel_loop3A_43] {strides = array<i32>} : memref<128x64xf32, #tpu.memory_space<vmem>>, vector<16xf32>,
        %parallel_loop3A_45 = arith.mulf %parallel_loop3A_41, %parallel_loop3A_44 : vector<16xf32>
        %parallel_loop3A_46 = arith.constant true
        %parallel_loop3A_47 = vector.broadcast %parallel_loop3A_46 : i1 to vector<16xi1>
        %parallel_loop3A_48 = tpu.scan <sum>, %parallel_loop3A_45 masked %parallel_loop3A_47 : vector<16xf32>, vector<16xi1> -> vector<16xf32>
        %parallel_loop3A_49 = arith.index_cast %parallel_loop3A_15 : i32 to index
        %parallel_loop3A_50 = arith.constant 48 : index
        %parallel_loop3A_51 = tpu.vector_load %arg7[%parallel_loop3A_49, %parallel_loop3A_50] {strides = array<i32>} : memref<128x64xf32, #tpu.memory_space<vmem>>, vector<16xf32>,
        %parallel_loop3A_52 = arith.index_cast %parallel_loop3A_15 : i32 to index
        %parallel_loop3A_53 = arith.constant 48 : index
        %parallel_loop3A_54 = tpu.vector_load %arg8[%parallel_loop3A_52, %parallel_loop3A_53] {strides = array<i32>} : memref<128x64xf32, #tpu.memory_space<vmem>>, vector<16xf32>,
        %parallel_loop3A_55 = arith.mulf %parallel_loop3A_51, %parallel_loop3A_54 : vector<16xf32>
        %parallel_loop3A_56 = arith.constant true
        %parallel_loop3A_57 = vector.broadcast %parallel_loop3A_56 : i1 to vector<16xi1>
        %parallel_loop3A_58 = tpu.scan <sum>, %parallel_loop3A_55 masked %parallel_loop3A_57 : vector<16xf32>, vector<16xi1> -> vector<16xf32>
        %parallel_loop3A_59 = arith.constant 0.000000e+00 : f32
        %parallel_loop3A_60 = vector.broadcast %parallel_loop3A_59 : f32 to vector<16xf32>
        %parallel_loop3A_61 = arith.addf %parallel_loop3A_28, %parallel_loop3A_60 : vector<16xf32>
        %parallel_loop3A_62 = vector.shape_cast %broadcast_in_dim3A_1 : vector<16xi32> to vector<16x1xi32>
        %parallel_loop3A_63 = vector.shape_cast %parallel_loop3A_62 : vector<16x1xi32> to vector<16xi32>
        %parallel_loop3A_64 = tpu.dynamic_gather %parallel_loop3A_61[%parallel_loop3A_63] in [0] : vector<16xf32>, vector<16xi32> -> vector<16xf32>
        %parallel_loop3A_65 = arith.constant 0.000000e+00 : f32
        %parallel_loop3A_66 = vector.broadcast %parallel_loop3A_65 : f32 to vector<16xf32>
        %parallel_loop3A_67 = arith.subf %parallel_loop3A_66, %parallel_loop3A_61 : vector<16xf32>
        %parallel_loop3A_68 = math.exp %parallel_loop3A_67 : vector<16xf32>
        %parallel_loop3A_69 = arith.addf %parallel_loop3A_38, %parallel_loop3A_64 : vector<16xf32>
        %parallel_loop3A_70 = vector.shape_cast %broadcast_in_dim3A_1 : vector<16xi32> to vector<16x1xi32>
        %parallel_loop3A_71 = vector.shape_cast %parallel_loop3A_70 : vector<16x1xi32> to vector<16xi32>
        %parallel_loop3A_72 = tpu.dynamic_gather %parallel_loop3A_69[%parallel_loop3A_71] in [0] : vector<16xf32>, vector<16xi32> -> vector<16xf32>
        %parallel_loop3A_73 = arith.constant 0.000000e+00 : f32
        %parallel_loop3A_74 = vector.broadcast %parallel_loop3A_73 : f32 to vector<16xf32>
        %parallel_loop3A_75 = arith.subf %parallel_loop3A_74, %parallel_loop3A_69 : vector<16xf32>
        %parallel_loop3A_76 = math.exp %parallel_loop3A_75 : vector<16xf32>
        %parallel_loop3A_77 = arith.addf %parallel_loop3A_48, %parallel_loop3A_72 : vector<16xf32>
        %parallel_loop3A_78 = vector.shape_cast %broadcast_in_dim3A_1 : vector<16xi32> to vector<16x1xi32>
        %parallel_loop3A_79 = vector.shape_cast %parallel_loop3A_78 : vector<16x1xi32> to vector<16xi32>
        %parallel_loop3A_80 = tpu.dynamic_gather %parallel_loop3A_77[%parallel_loop3A_79] in [0] : vector<16xf32>, vector<16xi32> -> vector<16xf32>
        %parallel_loop3A_81 = arith.constant 0.000000e+00 : f32
        %parallel_loop3A_82 = vector.broadcast %parallel_loop3A_81 : f32 to vector<16xf32>
        %parallel_loop3A_83 = arith.subf %parallel_loop3A_82, %parallel_loop3A_77 : vector<16xf32>
        %parallel_loop3A_84 = math.exp %parallel_loop3A_83 : vector<16xf32>
        %parallel_loop3A_85 = arith.addf %parallel_loop3A_58, %parallel_loop3A_80 : vector<16xf32>
        %parallel_loop3A_86 = vector.shape_cast %broadcast_in_dim3A_1 : vector<16xi32> to vector<16x1xi32>
        %parallel_loop3A_87 = vector.shape_cast %parallel_loop3A_86 : vector<16x1xi32> to vector<16xi32>
        %parallel_loop3A_88 = tpu.dynamic_gather %parallel_loop3A_85[%parallel_loop3A_87] in [0] : vector<16xf32>, vector<16xi32> -> vector<16xf32>
        %parallel_loop3A_89 = arith.constant 0.000000e+00 : f32
        %parallel_loop3A_90 = vector.broadcast %parallel_loop3A_89 : f32 to vector<16xf32>
        %parallel_loop3A_91 = arith.subf %parallel_loop3A_90, %parallel_loop3A_85 : vector<16xf32>
        %parallel_loop3A_92 = math.exp %parallel_loop3A_91 : vector<16xf32>
        %parallel_loop3A_93 = vector.shape_cast %broadcast_in_dim3A_1 : vector<16xi32> to vector<16x1xi32>
        %parallel_loop3A_94 = vector.shape_cast %parallel_loop3A_93 : vector<16x1xi32> to vector<16xi32>
        %parallel_loop3A_95 = tpu.dynamic_gather %parallel_loop3A_92[%parallel_loop3A_94] in [0] : vector<16xf32>, vector<16xi32> -> vector<16xf32>
        %parallel_loop3A_96 = arith.constant 1.000000e+00 : f32
        %parallel_loop3A_97 = vector.broadcast %parallel_loop3A_96 : f32 to vector<16xf32>
        %parallel_loop3A_98 = arith.subf %parallel_loop3A_97, %parallel_loop3A_95 : vector<16xf32>
        %parallel_loop3A_99 = arith.constant 9.99999974E-6 : f32
        %parallel_loop3A_100 = vector.broadcast %parallel_loop3A_99 : f32 to vector<16xf32>
        %parallel_loop3A_101 = arith.subf %parallel_loop3A_100, %parallel_loop3A_98 : vector<16xf32>
        %parallel_loop3A_102 = arith.constant 0.000000e+00 : f32
        %parallel_loop3A_103 = vector.broadcast %parallel_loop3A_102 : f32 to vector<16xf32>
        %parallel_loop3A_104 = arith.maximumf %parallel_loop3A_101, %parallel_loop3A_103 : vector<16xf32>
        %parallel_loop3A_105 = arith.constant 1.562500e-02 : f32
        %parallel_loop3A_106 = vector.broadcast %parallel_loop3A_105 : f32 to vector<16xf32>
        %parallel_loop3A_107 = arith.mulf %parallel_loop3A_104, %parallel_loop3A_106 : vector<16xf32>
        %parallel_loop3A_108 = arith.addf %parallel_loop3A_98, %parallel_loop3A_104 : vector<16xf32>
        %parallel_loop3A_109 = arith.constant 1.000000e+00 : f32
        %parallel_loop3A_110 = vector.broadcast %parallel_loop3A_109 : f32 to vector<16xf32>
        %parallel_loop3A_111 = arith.divf %parallel_loop3A_110, %parallel_loop3A_108 : vector<16xf32>
        %parallel_loop3A_112 = arith.constant 1.000000e+00 : f32
        %parallel_loop3A_113 = vector.broadcast %parallel_loop3A_112 : f32 to vector<16xf32>
        %parallel_loop3A_114 = arith.addf %convert_element_type3A, %parallel_loop3A_113 : vector<16xf32>
        %parallel_loop3A_115 = arith.constant 1.000000e+00 : f32
        %parallel_loop3A_116 = vector.broadcast %parallel_loop3A_115 : f32 to vector<16xf32>
        %parallel_loop3A_117 = arith.subf %parallel_loop3A_116, %parallel_loop3A_68 : vector<16xf32>
        %parallel_loop3A_118 = arith.mulf %parallel_loop3A_114, %parallel_loop3A_107 : vector<16xf32>
        %parallel_loop3A_119 = arith.addf %parallel_loop3A_117, %parallel_loop3A_118 : vector<16xf32>
        %parallel_loop3A_120 = arith.mulf %parallel_loop3A_119, %parallel_loop3A_111 : vector<16xf32>
        %parallel_loop3A_121 = arith.constant 1.000000e+00 : f32
        %parallel_loop3A_122 = vector.broadcast %parallel_loop3A_121 : f32 to vector<16xf32>
        %parallel_loop3A_123 = arith.minimumf %parallel_loop3A_120, %parallel_loop3A_122 : vector<16xf32>
        %parallel_loop3A_124 = arith.constant 0 : i32
        %parallel_loop3A_125 = arith.addi %parallel_loop3A_17, %parallel_loop3A_124 : i32
        %parallel_loop3A_126 = arith.index_cast %parallel_loop3A_125 : i32 to index
        %parallel_loop3A_127 = tpu.vector_load %arg11[%parallel_loop3A_126] {strides = array<i32>} : memref<8192xf32, #tpu.memory_space<vmem>>, vector<16xf32>,
        tpu.vector_store %arg11[%parallel_loop3A_126], %parallel_loop3A_123 {strides = array<i32>} : memref<8192xf32, #tpu.memory_space<vmem>>, vector<16xf32>,
        %parallel_loop3A_128 = arith.constant 1.700000e+01 : f32
        %parallel_loop3A_129 = vector.broadcast %parallel_loop3A_128 : f32 to vector<16xf32>
        %parallel_loop3A_130 = arith.addf %convert_element_type3A, %parallel_loop3A_129 : vector<16xf32>
        %parallel_loop3A_131 = arith.constant 1.000000e+00 : f32
        %parallel_loop3A_132 = vector.broadcast %parallel_loop3A_131 : f32 to vector<16xf32>
        %parallel_loop3A_133 = arith.subf %parallel_loop3A_132, %parallel_loop3A_76 : vector<16xf32>
        %parallel_loop3A_134 = arith.mulf %parallel_loop3A_130, %parallel_loop3A_107 : vector<16xf32>
        %parallel_loop3A_135 = arith.addf %parallel_loop3A_133, %parallel_loop3A_134 : vector<16xf32>
        %parallel_loop3A_136 = arith.mulf %parallel_loop3A_135, %parallel_loop3A_111 : vector<16xf32>
        %parallel_loop3A_137 = arith.constant 1.000000e+00 : f32
        %parallel_loop3A_138 = vector.broadcast %parallel_loop3A_137 : f32 to vector<16xf32>
        %parallel_loop3A_139 = arith.minimumf %parallel_loop3A_136, %parallel_loop3A_138 : vector<16xf32>
        %parallel_loop3A_140 = arith.constant 16 : i32
        %parallel_loop3A_141 = arith.addi %parallel_loop3A_17, %parallel_loop3A_140 : i32
        %parallel_loop3A_142 = arith.index_cast %parallel_loop3A_141 : i32 to index
        %parallel_loop3A_143 = tpu.vector_load %arg11[%parallel_loop3A_142] {strides = array<i32>} : memref<8192xf32, #tpu.memory_space<vmem>>, vector<16xf32>,
        tpu.vector_store %arg11[%parallel_loop3A_142], %parallel_loop3A_139 {strides = array<i32>} : memref<8192xf32, #tpu.memory_space<vmem>>, vector<16xf32>,
        %parallel_loop3A_144 = arith.constant 3.300000e+01 : f32
        %parallel_loop3A_145 = vector.broadcast %parallel_loop3A_144 : f32 to vector<16xf32>
        %parallel_loop3A_146 = arith.addf %convert_element_type3A, %parallel_loop3A_145 : vector<16xf32>
        %parallel_loop3A_147 = arith.constant 1.000000e+00 : f32
        %parallel_loop3A_148 = vector.broadcast %parallel_loop3A_147 : f32 to vector<16xf32>
        %parallel_loop3A_149 = arith.subf %parallel_loop3A_148, %parallel_loop3A_84 : vector<16xf32>
        %parallel_loop3A_150 = arith.mulf %parallel_loop3A_146, %parallel_loop3A_107 : vector<16xf32>
        %parallel_loop3A_151 = arith.addf %parallel_loop3A_149, %parallel_loop3A_150 : vector<16xf32>
        %parallel_loop3A_152 = arith.mulf %parallel_loop3A_151, %parallel_loop3A_111 : vector<16xf32>
        %parallel_loop3A_153 = arith.constant 1.000000e+00 : f32
        %parallel_loop3A_154 = vector.broadcast %parallel_loop3A_153 : f32 to vector<16xf32>
        %parallel_loop3A_155 = arith.minimumf %parallel_loop3A_152, %parallel_loop3A_154 : vector<16xf32>
        %parallel_loop3A_156 = arith.constant 32 : i32
        %parallel_loop3A_157 = arith.addi %parallel_loop3A_17, %parallel_loop3A_156 : i32
        %parallel_loop3A_158 = arith.index_cast %parallel_loop3A_157 : i32 to index
        %parallel_loop3A_159 = tpu.vector_load %arg11[%parallel_loop3A_158] {strides = array<i32>} : memref<8192xf32, #tpu.memory_space<vmem>>, vector<16xf32>,
        tpu.vector_store %arg11[%parallel_loop3A_158], %parallel_loop3A_155 {strides = array<i32>} : memref<8192xf32, #tpu.memory_space<vmem>>, vector<16xf32>,
        %parallel_loop3A_160 = arith.constant 4.900000e+01 : f32
        %parallel_loop3A_161 = vector.broadcast %parallel_loop3A_160 : f32 to vector<16xf32>
        %parallel_loop3A_162 = arith.addf %convert_element_type3A, %parallel_loop3A_161 : vector<16xf32>
        %parallel_loop3A_163 = arith.constant 1.000000e+00 : f32
        %parallel_loop3A_164 = vector.broadcast %parallel_loop3A_163 : f32 to vector<16xf32>
        %parallel_loop3A_165 = arith.subf %parallel_loop3A_164, %parallel_loop3A_92 : vector<16xf32>
        %parallel_loop3A_166 = arith.mulf %parallel_loop3A_162, %parallel_loop3A_107 : vector<16xf32>
        %parallel_loop3A_167 = arith.addf %parallel_loop3A_165, %parallel_loop3A_166 : vector<16xf32>
        %parallel_loop3A_168 = arith.mulf %parallel_loop3A_167, %parallel_loop3A_111 : vector<16xf32>
        %parallel_loop3A_169 = arith.constant 1.000000e+00 : f32
        %parallel_loop3A_170 = vector.broadcast %parallel_loop3A_169 : f32 to vector<16xf32>
        %parallel_loop3A_171 = arith.minimumf %parallel_loop3A_168, %parallel_loop3A_170 : vector<16xf32>
        %parallel_loop3A_172 = arith.constant 48 : i32
        %parallel_loop3A_173 = arith.addi %parallel_loop3A_17, %parallel_loop3A_172 : i32
        %parallel_loop3A_174 = arith.index_cast %parallel_loop3A_173 : i32 to index
        %parallel_loop3A_175 = tpu.vector_load %arg11[%parallel_loop3A_174] {strides = array<i32>} : memref<8192xf32, #tpu.memory_space<vmem>>, vector<16xf32>,
        tpu.vector_store %arg11[%parallel_loop3A_174], %parallel_loop3A_171 {strides = array<i32>} : memref<8192xf32, #tpu.memory_space<vmem>>, vector<16xf32>,
        %parallel_loop3A_176 = vector.shape_cast %broadcast_in_dim3A_1 : vector<16xi32> to vector<16x1xi32>
        %parallel_loop3A_177 = vector.shape_cast %parallel_loop3A_176 : vector<16x1xi32> to vector<16xi32>
        %parallel_loop3A_178 = tpu.dynamic_gather %parallel_loop3A_123[%parallel_loop3A_177] in [0] : vector<16xf32>, vector<16xi32> -> vector<16xf32>
        %parallel_loop3A_179 = vector.shape_cast %broadcast_in_dim3A_1 : vector<16xi32> to vector<16x1xi32>
        %parallel_loop3A_180 = vector.shape_cast %parallel_loop3A_179 : vector<16x1xi32> to vector<16xi32>
        %parallel_loop3A_181 = tpu.dynamic_gather %parallel_loop3A_139[%parallel_loop3A_180] in [0] : vector<16xf32>, vector<16xi32> -> vector<16xf32>
        %parallel_loop3A_182 = vector.shape_cast %broadcast_in_dim3A_1 : vector<16xi32> to vector<16x1xi32>
        %parallel_loop3A_183 = vector.shape_cast %parallel_loop3A_182 : vector<16x1xi32> to vector<16xi32>
        %parallel_loop3A_184 = tpu.dynamic_gather %parallel_loop3A_155[%parallel_loop3A_183] in [0] : vector<16xf32>, vector<16xi32> -> vector<16xf32>
        %parallel_loop3A_185 = arith.index_cast %parallel_loop3A_15 : i32 to index
        %parallel_loop3A_186 = arith.constant 0 : index
        %parallel_loop3A_187 = tpu.vector_load %arg10[%parallel_loop3A_185, %parallel_loop3A_186] {strides = array<i32>} : memref<128x64xf32, #tpu.memory_space<vmem>>, vector<16xf32>,
        %parallel_loop3A_188 = arith.cmpf ole, %parallel_loop3A_178, %parallel_loop3A_187 : vector<16xf32>
        %parallel_loop3A_189 = arith.constant 16 : i32
        %parallel_loop3A_190 = arith.constant 0 : i32
        %parallel_loop3A_191 = vector.broadcast %parallel_loop3A_189 : i32 to vector<16xi32>
        %parallel_loop3A_192 = vector.broadcast %parallel_loop3A_190 : i32 to vector<16xi32>
        %parallel_loop3A_193 = arith.select %parallel_loop3A_188, %parallel_loop3A_191, %parallel_loop3A_192 : vector<16xi1>, vector<16xi32>
        %parallel_loop3A_194 = arith.cmpf ole, %parallel_loop3A_181, %parallel_loop3A_187 : vector<16xf32>
        %parallel_loop3A_195 = arith.constant 16 : i32
        %parallel_loop3A_196 = arith.constant 0 : i32
        %parallel_loop3A_197 = vector.broadcast %parallel_loop3A_195 : i32 to vector<16xi32>
        %parallel_loop3A_198 = vector.broadcast %parallel_loop3A_196 : i32 to vector<16xi32>
        %parallel_loop3A_199 = arith.select %parallel_loop3A_194, %parallel_loop3A_197, %parallel_loop3A_198 : vector<16xi1>, vector<16xi32>
        %parallel_loop3A_200 = arith.addi %parallel_loop3A_193, %parallel_loop3A_199 : vector<16xi32>
        %parallel_loop3A_201 = arith.cmpf ole, %parallel_loop3A_184, %parallel_loop3A_187 : vector<16xf32>
        %parallel_loop3A_202 = arith.constant 16 : i32
        %parallel_loop3A_203 = arith.constant 0 : i32
        %parallel_loop3A_204 = vector.broadcast %parallel_loop3A_202 : i32 to vector<16xi32>
        %parallel_loop3A_205 = vector.broadcast %parallel_loop3A_203 : i32 to vector<16xi32>
        %parallel_loop3A_206 = arith.select %parallel_loop3A_201, %parallel_loop3A_204, %parallel_loop3A_205 : vector<16xi1>, vector<16xi32>
        %parallel_loop3A_207 = arith.addi %parallel_loop3A_200, %parallel_loop3A_206 : vector<16xi32>
        %parallel_loop3A_208 = arith.constant 8 : i32
        %parallel_loop3A_209 = arith.addi %parallel_loop3A_17, %parallel_loop3A_208 : i32
        %parallel_loop3A_210 = arith.constant 1 : i32
        %parallel_loop3A_211 = arith.subi %parallel_loop3A_209, %parallel_loop3A_210 : i32
        %parallel_loop3A_212 = vector.broadcast %parallel_loop3A_211 : i32 to vector<16xi32>
        %parallel_loop3A_213 = arith.addi %parallel_loop3A_207, %parallel_loop3A_212 : vector<16xi32>
        %parallel_loop3A_214 = tpu.vector_load_idx %arg11[%parallel_loop3A_213] : memref<8192xf32, #tpu.memory_space<vmem>>[vector<16xi32>], vector<16xf32>,
        %parallel_loop3A_215 = arith.cmpf ole, %parallel_loop3A_214, %parallel_loop3A_187 : vector<16xf32>
        %parallel_loop3A_216 = arith.constant 8 : i32
        %parallel_loop3A_217 = vector.broadcast %parallel_loop3A_216 : i32 to vector<16xi32>
        %parallel_loop3A_218 = arith.addi %parallel_loop3A_207, %parallel_loop3A_217 : vector<16xi32>
        %parallel_loop3A_219 = arith.select %parallel_loop3A_215, %parallel_loop3A_218, %parallel_loop3A_207 : vector<16xi1>, vector<16xi32>
        %parallel_loop3A_220 = arith.constant 4 : i32
        %parallel_loop3A_221 = arith.addi %parallel_loop3A_17, %parallel_loop3A_220 : i32
        %parallel_loop3A_222 = arith.constant 1 : i32
        %parallel_loop3A_223 = arith.subi %parallel_loop3A_221, %parallel_loop3A_222 : i32
        %parallel_loop3A_224 = vector.broadcast %parallel_loop3A_223 : i32 to vector<16xi32>
        %parallel_loop3A_225 = arith.addi %parallel_loop3A_219, %parallel_loop3A_224 : vector<16xi32>
        %parallel_loop3A_226 = tpu.vector_load_idx %arg11[%parallel_loop3A_225] : memref<8192xf32, #tpu.memory_space<vmem>>[vector<16xi32>], vector<16xf32>,
        %parallel_loop3A_227 = arith.cmpf ole, %parallel_loop3A_226, %parallel_loop3A_187 : vector<16xf32>
        %parallel_loop3A_228 = arith.constant 4 : i32
        %parallel_loop3A_229 = vector.broadcast %parallel_loop3A_228 : i32 to vector<16xi32>
        %parallel_loop3A_230 = arith.addi %parallel_loop3A_219, %parallel_loop3A_229 : vector<16xi32>
        %parallel_loop3A_231 = arith.select %parallel_loop3A_227, %parallel_loop3A_230, %parallel_loop3A_219 : vector<16xi1>, vector<16xi32>
        %parallel_loop3A_232 = arith.constant 2 : i32
        %parallel_loop3A_233 = arith.addi %parallel_loop3A_17, %parallel_loop3A_232 : i32
        %parallel_loop3A_234 = arith.constant 1 : i32
        %parallel_loop3A_235 = arith.subi %parallel_loop3A_233, %parallel_loop3A_234 : i32
        %parallel_loop3A_236 = vector.broadcast %parallel_loop3A_235 : i32 to vector<16xi32>
        %parallel_loop3A_237 = arith.addi %parallel_loop3A_231, %parallel_loop3A_236 : vector<16xi32>
        %parallel_loop3A_238 = tpu.vector_load_idx %arg11[%parallel_loop3A_237] : memref<8192xf32, #tpu.memory_space<vmem>>[vector<16xi32>], vector<16xf32>,
        %parallel_loop3A_239 = arith.cmpf ole, %parallel_loop3A_238, %parallel_loop3A_187 : vector<16xf32>
        %parallel_loop3A_240 = arith.constant 2 : i32
        %parallel_loop3A_241 = vector.broadcast %parallel_loop3A_240 : i32 to vector<16xi32>
        %parallel_loop3A_242 = arith.addi %parallel_loop3A_231, %parallel_loop3A_241 : vector<16xi32>
        %parallel_loop3A_243 = arith.select %parallel_loop3A_239, %parallel_loop3A_242, %parallel_loop3A_231 : vector<16xi1>, vector<16xi32>
        %parallel_loop3A_244 = arith.constant 1 : i32
        %parallel_loop3A_245 = arith.addi %parallel_loop3A_17, %parallel_loop3A_244 : i32
        %parallel_loop3A_246 = arith.constant 1 : i32
        %parallel_loop3A_247 = arith.subi %parallel_loop3A_245, %parallel_loop3A_246 : i32
        %parallel_loop3A_248 = vector.broadcast %parallel_loop3A_247 : i32 to vector<16xi32>
        %parallel_loop3A_249 = arith.addi %parallel_loop3A_243, %parallel_loop3A_248 : vector<16xi32>
        %parallel_loop3A_250 = tpu.vector_load_idx %arg11[%parallel_loop3A_249] : memref<8192xf32, #tpu.memory_space<vmem>>[vector<16xi32>], vector<16xf32>,
        %parallel_loop3A_251 = arith.cmpf ole, %parallel_loop3A_250, %parallel_loop3A_187 : vector<16xf32>
        %parallel_loop3A_252 = arith.constant 1 : i32
        %parallel_loop3A_253 = vector.broadcast %parallel_loop3A_252 : i32 to vector<16xi32>
        %parallel_loop3A_254 = arith.addi %parallel_loop3A_243, %parallel_loop3A_253 : vector<16xi32>
        %parallel_loop3A_255 = arith.select %parallel_loop3A_251, %parallel_loop3A_254, %parallel_loop3A_243 : vector<16xi1>, vector<16xi32>
        %parallel_loop3A_256 = arith.constant 1 : i32
        %parallel_loop3A_257 = arith.addi %parallel_loop3A_17, %parallel_loop3A_256 : i32
        %parallel_loop3A_258 = arith.constant 1 : i32
        %parallel_loop3A_259 = arith.subi %parallel_loop3A_257, %parallel_loop3A_258 : i32
        %parallel_loop3A_260 = vector.broadcast %parallel_loop3A_259 : i32 to vector<16xi32>
        %parallel_loop3A_261 = arith.addi %parallel_loop3A_255, %parallel_loop3A_260 : vector<16xi32>
        %parallel_loop3A_262 = tpu.vector_load_idx %arg11[%parallel_loop3A_261] : memref<8192xf32, #tpu.memory_space<vmem>>[vector<16xi32>], vector<16xf32>,
        %parallel_loop3A_263 = arith.cmpf ole, %parallel_loop3A_262, %parallel_loop3A_187 : vector<16xf32>
        %parallel_loop3A_264 = arith.constant 1 : i32
        %parallel_loop3A_265 = vector.broadcast %parallel_loop3A_264 : i32 to vector<16xi32>
        %parallel_loop3A_266 = arith.addi %parallel_loop3A_255, %parallel_loop3A_265 : vector<16xi32>
        %parallel_loop3A_267 = arith.select %parallel_loop3A_263, %parallel_loop3A_266, %parallel_loop3A_255 : vector<16xi1>, vector<16xi32>
        %parallel_loop3A_268 = arith.constant 1 : i32
        %parallel_loop3A_269 = vector.broadcast %parallel_loop3A_268 : i32 to vector<16xi32>
        %parallel_loop3A_270 = arith.subi %parallel_loop3A_267, %parallel_loop3A_269 : vector<16xi32>
        %parallel_loop3A_271 = arith.constant 0 : i32
        %parallel_loop3A_272 = vector.broadcast %parallel_loop3A_271 : i32 to vector<16xi32>
        %parallel_loop3A_273 = arith.maxsi %parallel_loop3A_270, %parallel_loop3A_272 : vector<16xi32>
        %parallel_loop3A_274 = vector.broadcast %parallel_loop3A_17 : i32 to vector<16xi32>
        %parallel_loop3A_275 = arith.addi %parallel_loop3A_273, %parallel_loop3A_274 : vector<16xi32>
        %parallel_loop3A_276 = tpu.vector_load_idx %arg11[%parallel_loop3A_275] : memref<8192xf32, #tpu.memory_space<vmem>>[vector<16xi32>], vector<16xf32>,
        %parallel_loop3A_277 = arith.constant 0 : i32
        %parallel_loop3A_278 = vector.broadcast %parallel_loop3A_277 : i32 to vector<16xi32>
        %parallel_loop3A_279 = arith.cmpi eq, %parallel_loop3A_267, %parallel_loop3A_278 : vector<16xi32>
        %parallel_loop3A_280 = arith.constant 0.000000e+00 : f32
        %parallel_loop3A_281 = vector.broadcast %parallel_loop3A_280 : f32 to vector<16xf32>
        %parallel_loop3A_282 = arith.select %parallel_loop3A_279, %parallel_loop3A_281, %parallel_loop3A_276 : vector<16xi1>, vector<16xf32>
        %parallel_loop3A_283 = arith.constant 63 : i32
        %parallel_loop3A_284 = vector.broadcast %parallel_loop3A_283 : i32 to vector<16xi32>
        %parallel_loop3A_285 = arith.minsi %parallel_loop3A_267, %parallel_loop3A_284 : vector<16xi32>
        %parallel_loop3A_286 = vector.broadcast %parallel_loop3A_17 : i32 to vector<16xi32>
        %parallel_loop3A_287 = arith.addi %parallel_loop3A_285, %parallel_loop3A_286 : vector<16xi32>
        %parallel_loop3A_288 = tpu.vector_load_idx %arg11[%parallel_loop3A_287] : memref<8192xf32, #tpu.memory_space<vmem>>[vector<16xi32>], vector<16xf32>,
        %parallel_loop3A_289 = tpu.vector_load_idx %arg9[%parallel_loop3A_18, %parallel_loop3A_267] : memref<128x65xf32, #tpu.memory_space<vmem>>[vector<16xi32>, vector<16xi32>], vector<16xf32>,
        %parallel_loop3A_290 = arith.constant 1 : i32
        %parallel_loop3A_291 = vector.broadcast %parallel_loop3A_290 : i32 to vector<16xi32>
        %parallel_loop3A_292 = arith.addi %parallel_loop3A_267, %parallel_loop3A_291 : vector<16xi32>
        %parallel_loop3A_293 = arith.constant 64 : i32
        %parallel_loop3A_294 = vector.broadcast %parallel_loop3A_293 : i32 to vector<16xi32>
        %parallel_loop3A_295 = arith.minsi %parallel_loop3A_292, %parallel_loop3A_294 : vector<16xi32>
        %parallel_loop3A_296 = tpu.vector_load_idx %arg9[%parallel_loop3A_18, %parallel_loop3A_295] : memref<128x65xf32, #tpu.memory_space<vmem>>[vector<16xi32>, vector<16xi32>], vector<16xf32>,
        %parallel_loop3A_297 = arith.subf %parallel_loop3A_288, %parallel_loop3A_282 : vector<16xf32>
        %parallel_loop3A_298 = arith.constant 9.99999974E-6 : f32
        %parallel_loop3A_299 = vector.broadcast %parallel_loop3A_298 : f32 to vector<16xf32>
        %parallel_loop3A_300 = arith.cmpf olt, %parallel_loop3A_297, %parallel_loop3A_299 : vector<16xf32>
        %parallel_loop3A_301 = arith.constant 1.000000e+00 : f32
        %parallel_loop3A_302 = vector.broadcast %parallel_loop3A_301 : f32 to vector<16xf32>
        %parallel_loop3A_303 = arith.select %parallel_loop3A_300, %parallel_loop3A_302, %parallel_loop3A_297 : vector<16xi1>, vector<16xf32>
        %parallel_loop3A_304 = arith.subf %parallel_loop3A_187, %parallel_loop3A_282 : vector<16xf32>
        %parallel_loop3A_305 = arith.divf %parallel_loop3A_304, %parallel_loop3A_303 : vector<16xf32>
        %parallel_loop3A_306 = arith.subf %parallel_loop3A_296, %parallel_loop3A_289 : vector<16xf32>
        %parallel_loop3A_307 = arith.mulf %parallel_loop3A_305, %parallel_loop3A_306 : vector<16xf32>
        %parallel_loop3A_308 = arith.addf %parallel_loop3A_289, %parallel_loop3A_307 : vector<16xf32>
        %parallel_loop3A_309 = arith.index_cast %parallel_loop3A_15 : i32 to index
        %parallel_loop3A_310 = arith.constant 0 : index
        %parallel_loop3A_311 = tpu.vector_load %arg12[%parallel_loop3A_309, %parallel_loop3A_310] {strides = array<i32>} : memref<128x64xf32, #tpu.memory_space<vmem>>, vector<16xf32>,
        tpu.vector_store %arg12[%parallel_loop3A_309, %parallel_loop3A_310], %parallel_loop3A_308 {strides = array<i32>} : memref<128x64xf32, #tpu.memory_space<vmem>>, vector<16xf32>,
        %parallel_loop3A_312 = arith.index_cast %parallel_loop3A_15 : i32 to index
        %parallel_loop3A_313 = arith.constant 16 : index
        %parallel_loop3A_314 = tpu.vector_load %arg10[%parallel_loop3A_312, %parallel_loop3A_313] {strides = array<i32>} : memref<128x64xf32, #tpu.memory_space<vmem>>, vector<16xf32>,
        %parallel_loop3A_315 = arith.cmpf ole, %parallel_loop3A_178, %parallel_loop3A_314 : vector<16xf32>
        %parallel_loop3A_316 = arith.constant 16 : i32
        %parallel_loop3A_317 = arith.constant 0 : i32
        %parallel_loop3A_318 = vector.broadcast %parallel_loop3A_316 : i32 to vector<16xi32>
        %parallel_loop3A_319 = vector.broadcast %parallel_loop3A_317 : i32 to vector<16xi32>
        %parallel_loop3A_320 = arith.select %parallel_loop3A_315, %parallel_loop3A_318, %parallel_loop3A_319 : vector<16xi1>, vector<16xi32>
        %parallel_loop3A_321 = arith.cmpf ole, %parallel_loop3A_181, %parallel_loop3A_314 : vector<16xf32>
        %parallel_loop3A_322 = arith.constant 16 : i32
        %parallel_loop3A_323 = arith.constant 0 : i32
        %parallel_loop3A_324 = vector.broadcast %parallel_loop3A_322 : i32 to vector<16xi32>
        %parallel_loop3A_325 = vector.broadcast %parallel_loop3A_323 : i32 to vector<16xi32>
        %parallel_loop3A_326 = arith.select %parallel_loop3A_321, %parallel_loop3A_324, %parallel_loop3A_325 : vector<16xi1>, vector<16xi32>
        %parallel_loop3A_327 = arith.addi %parallel_loop3A_320, %parallel_loop3A_326 : vector<16xi32>
        %parallel_loop3A_328 = arith.cmpf ole, %parallel_loop3A_184, %parallel_loop3A_314 : vector<16xf32>
        %parallel_loop3A_329 = arith.constant 16 : i32
        %parallel_loop3A_330 = arith.constant 0 : i32
        %parallel_loop3A_331 = vector.broadcast %parallel_loop3A_329 : i32 to vector<16xi32>
        %parallel_loop3A_332 = vector.broadcast %parallel_loop3A_330 : i32 to vector<16xi32>
        %parallel_loop3A_333 = arith.select %parallel_loop3A_328, %parallel_loop3A_331, %parallel_loop3A_332 : vector<16xi1>, vector<16xi32>
        %parallel_loop3A_334 = arith.addi %parallel_loop3A_327, %parallel_loop3A_333 : vector<16xi32>
        %parallel_loop3A_335 = arith.constant 8 : i32
        %parallel_loop3A_336 = arith.addi %parallel_loop3A_17, %parallel_loop3A_335 : i32
        %parallel_loop3A_337 = arith.constant 1 : i32
        %parallel_loop3A_338 = arith.subi %parallel_loop3A_336, %parallel_loop3A_337 : i32
        %parallel_loop3A_339 = vector.broadcast %parallel_loop3A_338 : i32 to vector<16xi32>
        %parallel_loop3A_340 = arith.addi %parallel_loop3A_334, %parallel_loop3A_339 : vector<16xi32>
        %parallel_loop3A_341 = tpu.vector_load_idx %arg11[%parallel_loop3A_340] : memref<8192xf32, #tpu.memory_space<vmem>>[vector<16xi32>], vector<16xf32>,
        %parallel_loop3A_342 = arith.cmpf ole, %parallel_loop3A_341, %parallel_loop3A_314 : vector<16xf32>
        %parallel_loop3A_343 = arith.constant 8 : i32
        %parallel_loop3A_344 = vector.broadcast %parallel_loop3A_343 : i32 to vector<16xi32>
        %parallel_loop3A_345 = arith.addi %parallel_loop3A_334, %parallel_loop3A_344 : vector<16xi32>
        %parallel_loop3A_346 = arith.select %parallel_loop3A_342, %parallel_loop3A_345, %parallel_loop3A_334 : vector<16xi1>, vector<16xi32>
        %parallel_loop3A_347 = arith.constant 4 : i32
        %parallel_loop3A_348 = arith.addi %parallel_loop3A_17, %parallel_loop3A_347 : i32
        %parallel_loop3A_349 = arith.constant 1 : i32
        %parallel_loop3A_350 = arith.subi %parallel_loop3A_348, %parallel_loop3A_349 : i32
        %parallel_loop3A_351 = vector.broadcast %parallel_loop3A_350 : i32 to vector<16xi32>
        %parallel_loop3A_352 = arith.addi %parallel_loop3A_346, %parallel_loop3A_351 : vector<16xi32>
        %parallel_loop3A_353 = tpu.vector_load_idx %arg11[%parallel_loop3A_352] : memref<8192xf32, #tpu.memory_space<vmem>>[vector<16xi32>], vector<16xf32>,
        %parallel_loop3A_354 = arith.cmpf ole, %parallel_loop3A_353, %parallel_loop3A_314 : vector<16xf32>
        %parallel_loop3A_355 = arith.constant 4 : i32
        %parallel_loop3A_356 = vector.broadcast %parallel_loop3A_355 : i32 to vector<16xi32>
        %parallel_loop3A_357 = arith.addi %parallel_loop3A_346, %parallel_loop3A_356 : vector<16xi32>
        %parallel_loop3A_358 = arith.select %parallel_loop3A_354, %parallel_loop3A_357, %parallel_loop3A_346 : vector<16xi1>, vector<16xi32>
        %parallel_loop3A_359 = arith.constant 2 : i32
        %parallel_loop3A_360 = arith.addi %parallel_loop3A_17, %parallel_loop3A_359 : i32
        %parallel_loop3A_361 = arith.constant 1 : i32
        %parallel_loop3A_362 = arith.subi %parallel_loop3A_360, %parallel_loop3A_361 : i32
        %parallel_loop3A_363 = vector.broadcast %parallel_loop3A_362 : i32 to vector<16xi32>
        %parallel_loop3A_364 = arith.addi %parallel_loop3A_358, %parallel_loop3A_363 : vector<16xi32>
        %parallel_loop3A_365 = tpu.vector_load_idx %arg11[%parallel_loop3A_364] : memref<8192xf32, #tpu.memory_space<vmem>>[vector<16xi32>], vector<16xf32>,
        %parallel_loop3A_366 = arith.cmpf ole, %parallel_loop3A_365, %parallel_loop3A_314 : vector<16xf32>
        %parallel_loop3A_367 = arith.constant 2 : i32
        %parallel_loop3A_368 = vector.broadcast %parallel_loop3A_367 : i32 to vector<16xi32>
        %parallel_loop3A_369 = arith.addi %parallel_loop3A_358, %parallel_loop3A_368 : vector<16xi32>
        %parallel_loop3A_370 = arith.select %parallel_loop3A_366, %parallel_loop3A_369, %parallel_loop3A_358 : vector<16xi1>, vector<16xi32>
        %parallel_loop3A_371 = arith.constant 1 : i32
        %parallel_loop3A_372 = arith.addi %parallel_loop3A_17, %parallel_loop3A_371 : i32
        %parallel_loop3A_373 = arith.constant 1 : i32
        %parallel_loop3A_374 = arith.subi %parallel_loop3A_372, %parallel_loop3A_373 : i32
        %parallel_loop3A_375 = vector.broadcast %parallel_loop3A_374 : i32 to vector<16xi32>
        %parallel_loop3A_376 = arith.addi %parallel_loop3A_370, %parallel_loop3A_375 : vector<16xi32>
        %parallel_loop3A_377 = tpu.vector_load_idx %arg11[%parallel_loop3A_376] : memref<8192xf32, #tpu.memory_space<vmem>>[vector<16xi32>], vector<16xf32>,
        %parallel_loop3A_378 = arith.cmpf ole, %parallel_loop3A_377, %parallel_loop3A_314 : vector<16xf32>
        %parallel_loop3A_379 = arith.constant 1 : i32
        %parallel_loop3A_380 = vector.broadcast %parallel_loop3A_379 : i32 to vector<16xi32>
        %parallel_loop3A_381 = arith.addi %parallel_loop3A_370, %parallel_loop3A_380 : vector<16xi32>
        %parallel_loop3A_382 = arith.select %parallel_loop3A_378, %parallel_loop3A_381, %parallel_loop3A_370 : vector<16xi1>, vector<16xi32>
        %parallel_loop3A_383 = arith.constant 1 : i32
        %parallel_loop3A_384 = arith.addi %parallel_loop3A_17, %parallel_loop3A_383 : i32
        %parallel_loop3A_385 = arith.constant 1 : i32
        %parallel_loop3A_386 = arith.subi %parallel_loop3A_384, %parallel_loop3A_385 : i32
        %parallel_loop3A_387 = vector.broadcast %parallel_loop3A_386 : i32 to vector<16xi32>
        %parallel_loop3A_388 = arith.addi %parallel_loop3A_382, %parallel_loop3A_387 : vector<16xi32>
        %parallel_loop3A_389 = tpu.vector_load_idx %arg11[%parallel_loop3A_388] : memref<8192xf32, #tpu.memory_space<vmem>>[vector<16xi32>], vector<16xf32>,
        %parallel_loop3A_390 = arith.cmpf ole, %parallel_loop3A_389, %parallel_loop3A_314 : vector<16xf32>
        %parallel_loop3A_391 = arith.constant 1 : i32
        %parallel_loop3A_392 = vector.broadcast %parallel_loop3A_391 : i32 to vector<16xi32>
        %parallel_loop3A_393 = arith.addi %parallel_loop3A_382, %parallel_loop3A_392 : vector<16xi32>
        %parallel_loop3A_394 = arith.select %parallel_loop3A_390, %parallel_loop3A_393, %parallel_loop3A_382 : vector<16xi1>, vector<16xi32>
        %parallel_loop3A_395 = arith.constant 1 : i32
        %parallel_loop3A_396 = vector.broadcast %parallel_loop3A_395 : i32 to vector<16xi32>
        %parallel_loop3A_397 = arith.subi %parallel_loop3A_394, %parallel_loop3A_396 : vector<16xi32>
        %parallel_loop3A_398 = arith.constant 0 : i32
        %parallel_loop3A_399 = vector.broadcast %parallel_loop3A_398 : i32 to vector<16xi32>
        %parallel_loop3A_400 = arith.maxsi %parallel_loop3A_397, %parallel_loop3A_399 : vector<16xi32>
        %parallel_loop3A_401 = vector.broadcast %parallel_loop3A_17 : i32 to vector<16xi32>
        %parallel_loop3A_402 = arith.addi %parallel_loop3A_400, %parallel_loop3A_401 : vector<16xi32>
        %parallel_loop3A_403 = tpu.vector_load_idx %arg11[%parallel_loop3A_402] : memref<8192xf32, #tpu.memory_space<vmem>>[vector<16xi32>], vector<16xf32>,
        %parallel_loop3A_404 = arith.constant 0 : i32
        %parallel_loop3A_405 = vector.broadcast %parallel_loop3A_404 : i32 to vector<16xi32>
        %parallel_loop3A_406 = arith.cmpi eq, %parallel_loop3A_394, %parallel_loop3A_405 : vector<16xi32>
        %parallel_loop3A_407 = arith.constant 0.000000e+00 : f32
        %parallel_loop3A_408 = vector.broadcast %parallel_loop3A_407 : f32 to vector<16xf32>
        %parallel_loop3A_409 = arith.select %parallel_loop3A_406, %parallel_loop3A_408, %parallel_loop3A_403 : vector<16xi1>, vector<16xf32>
        %parallel_loop3A_410 = arith.constant 63 : i32
        %parallel_loop3A_411 = vector.broadcast %parallel_loop3A_410 : i32 to vector<16xi32>
        %parallel_loop3A_412 = arith.minsi %parallel_loop3A_394, %parallel_loop3A_411 : vector<16xi32>
        %parallel_loop3A_413 = vector.broadcast %parallel_loop3A_17 : i32 to vector<16xi32>
        %parallel_loop3A_414 = arith.addi %parallel_loop3A_412, %parallel_loop3A_413 : vector<16xi32>
        %parallel_loop3A_415 = tpu.vector_load_idx %arg11[%parallel_loop3A_414] : memref<8192xf32, #tpu.memory_space<vmem>>[vector<16xi32>], vector<16xf32>,
        %parallel_loop3A_416 = tpu.vector_load_idx %arg9[%parallel_loop3A_18, %parallel_loop3A_394] : memref<128x65xf32, #tpu.memory_space<vmem>>[vector<16xi32>, vector<16xi32>], vector<16xf32>,
        %parallel_loop3A_417 = arith.constant 1 : i32
        %parallel_loop3A_418 = vector.broadcast %parallel_loop3A_417 : i32 to vector<16xi32>
        %parallel_loop3A_419 = arith.addi %parallel_loop3A_394, %parallel_loop3A_418 : vector<16xi32>
        %parallel_loop3A_420 = arith.constant 64 : i32
        %parallel_loop3A_421 = vector.broadcast %parallel_loop3A_420 : i32 to vector<16xi32>
        %parallel_loop3A_422 = arith.minsi %parallel_loop3A_419, %parallel_loop3A_421 : vector<16xi32>
        %parallel_loop3A_423 = tpu.vector_load_idx %arg9[%parallel_loop3A_18, %parallel_loop3A_422] : memref<128x65xf32, #tpu.memory_space<vmem>>[vector<16xi32>, vector<16xi32>], vector<16xf32>,
        %parallel_loop3A_424 = arith.subf %parallel_loop3A_415, %parallel_loop3A_409 : vector<16xf32>
        %parallel_loop3A_425 = arith.constant 9.99999974E-6 : f32
        %parallel_loop3A_426 = vector.broadcast %parallel_loop3A_425 : f32 to vector<16xf32>
        %parallel_loop3A_427 = arith.cmpf olt, %parallel_loop3A_424, %parallel_loop3A_426 : vector<16xf32>
        %parallel_loop3A_428 = arith.constant 1.000000e+00 : f32
        %parallel_loop3A_429 = vector.broadcast %parallel_loop3A_428 : f32 to vector<16xf32>
        %parallel_loop3A_430 = arith.select %parallel_loop3A_427, %parallel_loop3A_429, %parallel_loop3A_424 : vector<16xi1>, vector<16xf32>
        %parallel_loop3A_431 = arith.subf %parallel_loop3A_314, %parallel_loop3A_409 : vector<16xf32>
        %parallel_loop3A_432 = arith.divf %parallel_loop3A_431, %parallel_loop3A_430 : vector<16xf32>
        %parallel_loop3A_433 = arith.subf %parallel_loop3A_423, %parallel_loop3A_416 : vector<16xf32>
        %parallel_loop3A_434 = arith.mulf %parallel_loop3A_432, %parallel_loop3A_433 : vector<16xf32>
        %parallel_loop3A_435 = arith.addf %parallel_loop3A_416, %parallel_loop3A_434 : vector<16xf32>
        %parallel_loop3A_436 = arith.index_cast %parallel_loop3A_15 : i32 to index
        %parallel_loop3A_437 = arith.constant 16 : index
        %parallel_loop3A_438 = tpu.vector_load %arg12[%parallel_loop3A_436, %parallel_loop3A_437] {strides = array<i32>} : memref<128x64xf32, #tpu.memory_space<vmem>>, vector<16xf32>,
        tpu.vector_store %arg12[%parallel_loop3A_436, %parallel_loop3A_437], %parallel_loop3A_435 {strides = array<i32>} : memref<128x64xf32, #tpu.memory_space<vmem>>, vector<16xf32>,
        %parallel_loop3A_439 = arith.index_cast %parallel_loop3A_15 : i32 to index
        %parallel_loop3A_440 = arith.constant 32 : index
        %parallel_loop3A_441 = tpu.vector_load %arg10[%parallel_loop3A_439, %parallel_loop3A_440] {strides = array<i32>} : memref<128x64xf32, #tpu.memory_space<vmem>>, vector<16xf32>,
        %parallel_loop3A_442 = arith.cmpf ole, %parallel_loop3A_178, %parallel_loop3A_441 : vector<16xf32>
        %parallel_loop3A_443 = arith.constant 16 : i32
        %parallel_loop3A_444 = arith.constant 0 : i32
        %parallel_loop3A_445 = vector.broadcast %parallel_loop3A_443 : i32 to vector<16xi32>
        %parallel_loop3A_446 = vector.broadcast %parallel_loop3A_444 : i32 to vector<16xi32>
        %parallel_loop3A_447 = arith.select %parallel_loop3A_442, %parallel_loop3A_445, %parallel_loop3A_446 : vector<16xi1>, vector<16xi32>
        %parallel_loop3A_448 = arith.cmpf ole, %parallel_loop3A_181, %parallel_loop3A_441 : vector<16xf32>
        %parallel_loop3A_449 = arith.constant 16 : i32
        %parallel_loop3A_450 = arith.constant 0 : i32
        %parallel_loop3A_451 = vector.broadcast %parallel_loop3A_449 : i32 to vector<16xi32>
        %parallel_loop3A_452 = vector.broadcast %parallel_loop3A_450 : i32 to vector<16xi32>
        %parallel_loop3A_453 = arith.select %parallel_loop3A_448, %parallel_loop3A_451, %parallel_loop3A_452 : vector<16xi1>, vector<16xi32>
        %parallel_loop3A_454 = arith.addi %parallel_loop3A_447, %parallel_loop3A_453 : vector<16xi32>
        %parallel_loop3A_455 = arith.cmpf ole, %parallel_loop3A_184, %parallel_loop3A_441 : vector<16xf32>
        %parallel_loop3A_456 = arith.constant 16 : i32
        %parallel_loop3A_457 = arith.constant 0 : i32
        %parallel_loop3A_458 = vector.broadcast %parallel_loop3A_456 : i32 to vector<16xi32>
        %parallel_loop3A_459 = vector.broadcast %parallel_loop3A_457 : i32 to vector<16xi32>
        %parallel_loop3A_460 = arith.select %parallel_loop3A_455, %parallel_loop3A_458, %parallel_loop3A_459 : vector<16xi1>, vector<16xi32>
        %parallel_loop3A_461 = arith.addi %parallel_loop3A_454, %parallel_loop3A_460 : vector<16xi32>
        %parallel_loop3A_462 = arith.constant 8 : i32
        %parallel_loop3A_463 = arith.addi %parallel_loop3A_17, %parallel_loop3A_462 : i32
        %parallel_loop3A_464 = arith.constant 1 : i32
        %parallel_loop3A_465 = arith.subi %parallel_loop3A_463, %parallel_loop3A_464 : i32
        %parallel_loop3A_466 = vector.broadcast %parallel_loop3A_465 : i32 to vector<16xi32>
        %parallel_loop3A_467 = arith.addi %parallel_loop3A_461, %parallel_loop3A_466 : vector<16xi32>
        %parallel_loop3A_468 = tpu.vector_load_idx %arg11[%parallel_loop3A_467] : memref<8192xf32, #tpu.memory_space<vmem>>[vector<16xi32>], vector<16xf32>,
        %parallel_loop3A_469 = arith.cmpf ole, %parallel_loop3A_468, %parallel_loop3A_441 : vector<16xf32>
        %parallel_loop3A_470 = arith.constant 8 : i32
        %parallel_loop3A_471 = vector.broadcast %parallel_loop3A_470 : i32 to vector<16xi32>
        %parallel_loop3A_472 = arith.addi %parallel_loop3A_461, %parallel_loop3A_471 : vector<16xi32>
        %parallel_loop3A_473 = arith.select %parallel_loop3A_469, %parallel_loop3A_472, %parallel_loop3A_461 : vector<16xi1>, vector<16xi32>
        %parallel_loop3A_474 = arith.constant 4 : i32
        %parallel_loop3A_475 = arith.addi %parallel_loop3A_17, %parallel_loop3A_474 : i32
        %parallel_loop3A_476 = arith.constant 1 : i32
        %parallel_loop3A_477 = arith.subi %parallel_loop3A_475, %parallel_loop3A_476 : i32
        %parallel_loop3A_478 = vector.broadcast %parallel_loop3A_477 : i32 to vector<16xi32>
        %parallel_loop3A_479 = arith.addi %parallel_loop3A_473, %parallel_loop3A_478 : vector<16xi32>
        %parallel_loop3A_480 = tpu.vector_load_idx %arg11[%parallel_loop3A_479] : memref<8192xf32, #tpu.memory_space<vmem>>[vector<16xi32>], vector<16xf32>,
        %parallel_loop3A_481 = arith.cmpf ole, %parallel_loop3A_480, %parallel_loop3A_441 : vector<16xf32>
        %parallel_loop3A_482 = arith.constant 4 : i32
        %parallel_loop3A_483 = vector.broadcast %parallel_loop3A_482 : i32 to vector<16xi32>
        %parallel_loop3A_484 = arith.addi %parallel_loop3A_473, %parallel_loop3A_483 : vector<16xi32>
        %parallel_loop3A_485 = arith.select %parallel_loop3A_481, %parallel_loop3A_484, %parallel_loop3A_473 : vector<16xi1>, vector<16xi32>
        %parallel_loop3A_486 = arith.constant 2 : i32
        %parallel_loop3A_487 = arith.addi %parallel_loop3A_17, %parallel_loop3A_486 : i32
        %parallel_loop3A_488 = arith.constant 1 : i32
        %parallel_loop3A_489 = arith.subi %parallel_loop3A_487, %parallel_loop3A_488 : i32
        %parallel_loop3A_490 = vector.broadcast %parallel_loop3A_489 : i32 to vector<16xi32>
        %parallel_loop3A_491 = arith.addi %parallel_loop3A_485, %parallel_loop3A_490 : vector<16xi32>
        %parallel_loop3A_492 = tpu.vector_load_idx %arg11[%parallel_loop3A_491] : memref<8192xf32, #tpu.memory_space<vmem>>[vector<16xi32>], vector<16xf32>,
        %parallel_loop3A_493 = arith.cmpf ole, %parallel_loop3A_492, %parallel_loop3A_441 : vector<16xf32>
        %parallel_loop3A_494 = arith.constant 2 : i32
        %parallel_loop3A_495 = vector.broadcast %parallel_loop3A_494 : i32 to vector<16xi32>
        %parallel_loop3A_496 = arith.addi %parallel_loop3A_485, %parallel_loop3A_495 : vector<16xi32>
        %parallel_loop3A_497 = arith.select %parallel_loop3A_493, %parallel_loop3A_496, %parallel_loop3A_485 : vector<16xi1>, vector<16xi32>
        %parallel_loop3A_498 = arith.constant 1 : i32
        %parallel_loop3A_499 = arith.addi %parallel_loop3A_17, %parallel_loop3A_498 : i32
        %parallel_loop3A_500 = arith.constant 1 : i32
        %parallel_loop3A_501 = arith.subi %parallel_loop3A_499, %parallel_loop3A_500 : i32
        %parallel_loop3A_502 = vector.broadcast %parallel_loop3A_501 : i32 to vector<16xi32>
        %parallel_loop3A_503 = arith.addi %parallel_loop3A_497, %parallel_loop3A_502 : vector<16xi32>
        %parallel_loop3A_504 = tpu.vector_load_idx %arg11[%parallel_loop3A_503] : memref<8192xf32, #tpu.memory_space<vmem>>[vector<16xi32>], vector<16xf32>,
        %parallel_loop3A_505 = arith.cmpf ole, %parallel_loop3A_504, %parallel_loop3A_441 : vector<16xf32>
        %parallel_loop3A_506 = arith.constant 1 : i32
        %parallel_loop3A_507 = vector.broadcast %parallel_loop3A_506 : i32 to vector<16xi32>
        %parallel_loop3A_508 = arith.addi %parallel_loop3A_497, %parallel_loop3A_507 : vector<16xi32>
        %parallel_loop3A_509 = arith.select %parallel_loop3A_505, %parallel_loop3A_508, %parallel_loop3A_497 : vector<16xi1>, vector<16xi32>
        %parallel_loop3A_510 = arith.constant 1 : i32
        %parallel_loop3A_511 = arith.addi %parallel_loop3A_17, %parallel_loop3A_510 : i32
        %parallel_loop3A_512 = arith.constant 1 : i32
        %parallel_loop3A_513 = arith.subi %parallel_loop3A_511, %parallel_loop3A_512 : i32
        %parallel_loop3A_514 = vector.broadcast %parallel_loop3A_513 : i32 to vector<16xi32>
        %parallel_loop3A_515 = arith.addi %parallel_loop3A_509, %parallel_loop3A_514 : vector<16xi32>
        %parallel_loop3A_516 = tpu.vector_load_idx %arg11[%parallel_loop3A_515] : memref<8192xf32, #tpu.memory_space<vmem>>[vector<16xi32>], vector<16xf32>,
        %parallel_loop3A_517 = arith.cmpf ole, %parallel_loop3A_516, %parallel_loop3A_441 : vector<16xf32>
        %parallel_loop3A_518 = arith.constant 1 : i32
        %parallel_loop3A_519 = vector.broadcast %parallel_loop3A_518 : i32 to vector<16xi32>
        %parallel_loop3A_520 = arith.addi %parallel_loop3A_509, %parallel_loop3A_519 : vector<16xi32>
        %parallel_loop3A_521 = arith.select %parallel_loop3A_517, %parallel_loop3A_520, %parallel_loop3A_509 : vector<16xi1>, vector<16xi32>
        %parallel_loop3A_522 = arith.constant 1 : i32
        %parallel_loop3A_523 = vector.broadcast %parallel_loop3A_522 : i32 to vector<16xi32>
        %parallel_loop3A_524 = arith.subi %parallel_loop3A_521, %parallel_loop3A_523 : vector<16xi32>
        %parallel_loop3A_525 = arith.constant 0 : i32
        %parallel_loop3A_526 = vector.broadcast %parallel_loop3A_525 : i32 to vector<16xi32>
        %parallel_loop3A_527 = arith.maxsi %parallel_loop3A_524, %parallel_loop3A_526 : vector<16xi32>
        %parallel_loop3A_528 = vector.broadcast %parallel_loop3A_17 : i32 to vector<16xi32>
        %parallel_loop3A_529 = arith.addi %parallel_loop3A_527, %parallel_loop3A_528 : vector<16xi32>
        %parallel_loop3A_530 = tpu.vector_load_idx %arg11[%parallel_loop3A_529] : memref<8192xf32, #tpu.memory_space<vmem>>[vector<16xi32>], vector<16xf32>,
        %parallel_loop3A_531 = arith.constant 0 : i32
        %parallel_loop3A_532 = vector.broadcast %parallel_loop3A_531 : i32 to vector<16xi32>
        %parallel_loop3A_533 = arith.cmpi eq, %parallel_loop3A_521, %parallel_loop3A_532 : vector<16xi32>
        %parallel_loop3A_534 = arith.constant 0.000000e+00 : f32
        %parallel_loop3A_535 = vector.broadcast %parallel_loop3A_534 : f32 to vector<16xf32>
        %parallel_loop3A_536 = arith.select %parallel_loop3A_533, %parallel_loop3A_535, %parallel_loop3A_530 : vector<16xi1>, vector<16xf32>
        %parallel_loop3A_537 = arith.constant 63 : i32
        %parallel_loop3A_538 = vector.broadcast %parallel_loop3A_537 : i32 to vector<16xi32>
        %parallel_loop3A_539 = arith.minsi %parallel_loop3A_521, %parallel_loop3A_538 : vector<16xi32>
        %parallel_loop3A_540 = vector.broadcast %parallel_loop3A_17 : i32 to vector<16xi32>
        %parallel_loop3A_541 = arith.addi %parallel_loop3A_539, %parallel_loop3A_540 : vector<16xi32>
        %parallel_loop3A_542 = tpu.vector_load_idx %arg11[%parallel_loop3A_541] : memref<8192xf32, #tpu.memory_space<vmem>>[vector<16xi32>], vector<16xf32>,
        %parallel_loop3A_543 = tpu.vector_load_idx %arg9[%parallel_loop3A_18, %parallel_loop3A_521] : memref<128x65xf32, #tpu.memory_space<vmem>>[vector<16xi32>, vector<16xi32>], vector<16xf32>,
        %parallel_loop3A_544 = arith.constant 1 : i32
        %parallel_loop3A_545 = vector.broadcast %parallel_loop3A_544 : i32 to vector<16xi32>
        %parallel_loop3A_546 = arith.addi %parallel_loop3A_521, %parallel_loop3A_545 : vector<16xi32>
        %parallel_loop3A_547 = arith.constant 64 : i32
        %parallel_loop3A_548 = vector.broadcast %parallel_loop3A_547 : i32 to vector<16xi32>
        %parallel_loop3A_549 = arith.minsi %parallel_loop3A_546, %parallel_loop3A_548 : vector<16xi32>
        %parallel_loop3A_550 = tpu.vector_load_idx %arg9[%parallel_loop3A_18, %parallel_loop3A_549] : memref<128x65xf32, #tpu.memory_space<vmem>>[vector<16xi32>, vector<16xi32>], vector<16xf32>,
        %parallel_loop3A_551 = arith.subf %parallel_loop3A_542, %parallel_loop3A_536 : vector<16xf32>
        %parallel_loop3A_552 = arith.constant 9.99999974E-6 : f32
        %parallel_loop3A_553 = vector.broadcast %parallel_loop3A_552 : f32 to vector<16xf32>
        %parallel_loop3A_554 = arith.cmpf olt, %parallel_loop3A_551, %parallel_loop3A_553 : vector<16xf32>
        %parallel_loop3A_555 = arith.constant 1.000000e+00 : f32
        %parallel_loop3A_556 = vector.broadcast %parallel_loop3A_555 : f32 to vector<16xf32>
        %parallel_loop3A_557 = arith.select %parallel_loop3A_554, %parallel_loop3A_556, %parallel_loop3A_551 : vector<16xi1>, vector<16xf32>
        %parallel_loop3A_558 = arith.subf %parallel_loop3A_441, %parallel_loop3A_536 : vector<16xf32>
        %parallel_loop3A_559 = arith.divf %parallel_loop3A_558, %parallel_loop3A_557 : vector<16xf32>
        %parallel_loop3A_560 = arith.subf %parallel_loop3A_550, %parallel_loop3A_543 : vector<16xf32>
        %parallel_loop3A_561 = arith.mulf %parallel_loop3A_559, %parallel_loop3A_560 : vector<16xf32>
        %parallel_loop3A_562 = arith.addf %parallel_loop3A_543, %parallel_loop3A_561 : vector<16xf32>
        %parallel_loop3A_563 = arith.index_cast %parallel_loop3A_15 : i32 to index
        %parallel_loop3A_564 = arith.constant 32 : index
        %parallel_loop3A_565 = tpu.vector_load %arg12[%parallel_loop3A_563, %parallel_loop3A_564] {strides = array<i32>} : memref<128x64xf32, #tpu.memory_space<vmem>>, vector<16xf32>,
        tpu.vector_store %arg12[%parallel_loop3A_563, %parallel_loop3A_564], %parallel_loop3A_562 {strides = array<i32>} : memref<128x64xf32, #tpu.memory_space<vmem>>, vector<16xf32>,
        %parallel_loop3A_566 = arith.index_cast %parallel_loop3A_15 : i32 to index
        %parallel_loop3A_567 = arith.constant 48 : index
        %parallel_loop3A_568 = tpu.vector_load %arg10[%parallel_loop3A_566, %parallel_loop3A_567] {strides = array<i32>} : memref<128x64xf32, #tpu.memory_space<vmem>>, vector<16xf32>,
        %parallel_loop3A_569 = arith.cmpf ole, %parallel_loop3A_178, %parallel_loop3A_568 : vector<16xf32>
        %parallel_loop3A_570 = arith.constant 16 : i32
        %parallel_loop3A_571 = arith.constant 0 : i32
        %parallel_loop3A_572 = vector.broadcast %parallel_loop3A_570 : i32 to vector<16xi32>
        %parallel_loop3A_573 = vector.broadcast %parallel_loop3A_571 : i32 to vector<16xi32>
        %parallel_loop3A_574 = arith.select %parallel_loop3A_569, %parallel_loop3A_572, %parallel_loop3A_573 : vector<16xi1>, vector<16xi32>
        %parallel_loop3A_575 = arith.cmpf ole, %parallel_loop3A_181, %parallel_loop3A_568 : vector<16xf32>
        %parallel_loop3A_576 = arith.constant 16 : i32
        %parallel_loop3A_577 = arith.constant 0 : i32
        %parallel_loop3A_578 = vector.broadcast %parallel_loop3A_576 : i32 to vector<16xi32>
        %parallel_loop3A_579 = vector.broadcast %parallel_loop3A_577 : i32 to vector<16xi32>
        %parallel_loop3A_580 = arith.select %parallel_loop3A_575, %parallel_loop3A_578, %parallel_loop3A_579 : vector<16xi1>, vector<16xi32>
        %parallel_loop3A_581 = arith.addi %parallel_loop3A_574, %parallel_loop3A_580 : vector<16xi32>
        %parallel_loop3A_582 = arith.cmpf ole, %parallel_loop3A_184, %parallel_loop3A_568 : vector<16xf32>
        %parallel_loop3A_583 = arith.constant 16 : i32
        %parallel_loop3A_584 = arith.constant 0 : i32
        %parallel_loop3A_585 = vector.broadcast %parallel_loop3A_583 : i32 to vector<16xi32>
        %parallel_loop3A_586 = vector.broadcast %parallel_loop3A_584 : i32 to vector<16xi32>
        %parallel_loop3A_587 = arith.select %parallel_loop3A_582, %parallel_loop3A_585, %parallel_loop3A_586 : vector<16xi1>, vector<16xi32>
        %parallel_loop3A_588 = arith.addi %parallel_loop3A_581, %parallel_loop3A_587 : vector<16xi32>
        %parallel_loop3A_589 = arith.constant 8 : i32
        %parallel_loop3A_590 = arith.addi %parallel_loop3A_17, %parallel_loop3A_589 : i32
        %parallel_loop3A_591 = arith.constant 1 : i32
        %parallel_loop3A_592 = arith.subi %parallel_loop3A_590, %parallel_loop3A_591 : i32
        %parallel_loop3A_593 = vector.broadcast %parallel_loop3A_592 : i32 to vector<16xi32>
        %parallel_loop3A_594 = arith.addi %parallel_loop3A_588, %parallel_loop3A_593 : vector<16xi32>
        %parallel_loop3A_595 = tpu.vector_load_idx %arg11[%parallel_loop3A_594] : memref<8192xf32, #tpu.memory_space<vmem>>[vector<16xi32>], vector<16xf32>,
        %parallel_loop3A_596 = arith.cmpf ole, %parallel_loop3A_595, %parallel_loop3A_568 : vector<16xf32>
        %parallel_loop3A_597 = arith.constant 8 : i32
        %parallel_loop3A_598 = vector.broadcast %parallel_loop3A_597 : i32 to vector<16xi32>
        %parallel_loop3A_599 = arith.addi %parallel_loop3A_588, %parallel_loop3A_598 : vector<16xi32>
        %parallel_loop3A_600 = arith.select %parallel_loop3A_596, %parallel_loop3A_599, %parallel_loop3A_588 : vector<16xi1>, vector<16xi32>
        %parallel_loop3A_601 = arith.constant 4 : i32
        %parallel_loop3A_602 = arith.addi %parallel_loop3A_17, %parallel_loop3A_601 : i32
        %parallel_loop3A_603 = arith.constant 1 : i32
        %parallel_loop3A_604 = arith.subi %parallel_loop3A_602, %parallel_loop3A_603 : i32
        %parallel_loop3A_605 = vector.broadcast %parallel_loop3A_604 : i32 to vector<16xi32>
        %parallel_loop3A_606 = arith.addi %parallel_loop3A_600, %parallel_loop3A_605 : vector<16xi32>
        %parallel_loop3A_607 = tpu.vector_load_idx %arg11[%parallel_loop3A_606] : memref<8192xf32, #tpu.memory_space<vmem>>[vector<16xi32>], vector<16xf32>,
        %parallel_loop3A_608 = arith.cmpf ole, %parallel_loop3A_607, %parallel_loop3A_568 : vector<16xf32>
        %parallel_loop3A_609 = arith.constant 4 : i32
        %parallel_loop3A_610 = vector.broadcast %parallel_loop3A_609 : i32 to vector<16xi32>
        %parallel_loop3A_611 = arith.addi %parallel_loop3A_600, %parallel_loop3A_610 : vector<16xi32>
        %parallel_loop3A_612 = arith.select %parallel_loop3A_608, %parallel_loop3A_611, %parallel_loop3A_600 : vector<16xi1>, vector<16xi32>
        %parallel_loop3A_613 = arith.constant 2 : i32
        %parallel_loop3A_614 = arith.addi %parallel_loop3A_17, %parallel_loop3A_613 : i32
        %parallel_loop3A_615 = arith.constant 1 : i32
        %parallel_loop3A_616 = arith.subi %parallel_loop3A_614, %parallel_loop3A_615 : i32
        %parallel_loop3A_617 = vector.broadcast %parallel_loop3A_616 : i32 to vector<16xi32>
        %parallel_loop3A_618 = arith.addi %parallel_loop3A_612, %parallel_loop3A_617 : vector<16xi32>
        %parallel_loop3A_619 = tpu.vector_load_idx %arg11[%parallel_loop3A_618] : memref<8192xf32, #tpu.memory_space<vmem>>[vector<16xi32>], vector<16xf32>,
        %parallel_loop3A_620 = arith.cmpf ole, %parallel_loop3A_619, %parallel_loop3A_568 : vector<16xf32>
        %parallel_loop3A_621 = arith.constant 2 : i32
        %parallel_loop3A_622 = vector.broadcast %parallel_loop3A_621 : i32 to vector<16xi32>
        %parallel_loop3A_623 = arith.addi %parallel_loop3A_612, %parallel_loop3A_622 : vector<16xi32>
        %parallel_loop3A_624 = arith.select %parallel_loop3A_620, %parallel_loop3A_623, %parallel_loop3A_612 : vector<16xi1>, vector<16xi32>
        %parallel_loop3A_625 = arith.constant 1 : i32
        %parallel_loop3A_626 = arith.addi %parallel_loop3A_17, %parallel_loop3A_625 : i32
        %parallel_loop3A_627 = arith.constant 1 : i32
        %parallel_loop3A_628 = arith.subi %parallel_loop3A_626, %parallel_loop3A_627 : i32
        %parallel_loop3A_629 = vector.broadcast %parallel_loop3A_628 : i32 to vector<16xi32>
        %parallel_loop3A_630 = arith.addi %parallel_loop3A_624, %parallel_loop3A_629 : vector<16xi32>
        %parallel_loop3A_631 = tpu.vector_load_idx %arg11[%parallel_loop3A_630] : memref<8192xf32, #tpu.memory_space<vmem>>[vector<16xi32>], vector<16xf32>,
        %parallel_loop3A_632 = arith.cmpf ole, %parallel_loop3A_631, %parallel_loop3A_568 : vector<16xf32>
        %parallel_loop3A_633 = arith.constant 1 : i32
        %parallel_loop3A_634 = vector.broadcast %parallel_loop3A_633 : i32 to vector<16xi32>
        %parallel_loop3A_635 = arith.addi %parallel_loop3A_624, %parallel_loop3A_634 : vector<16xi32>
        %parallel_loop3A_636 = arith.select %parallel_loop3A_632, %parallel_loop3A_635, %parallel_loop3A_624 : vector<16xi1>, vector<16xi32>
        %parallel_loop3A_637 = arith.constant 1 : i32
        %parallel_loop3A_638 = arith.addi %parallel_loop3A_17, %parallel_loop3A_637 : i32
        %parallel_loop3A_639 = arith.constant 1 : i32
        %parallel_loop3A_640 = arith.subi %parallel_loop3A_638, %parallel_loop3A_639 : i32
        %parallel_loop3A_641 = vector.broadcast %parallel_loop3A_640 : i32 to vector<16xi32>
        %parallel_loop3A_642 = arith.addi %parallel_loop3A_636, %parallel_loop3A_641 : vector<16xi32>
        %parallel_loop3A_643 = tpu.vector_load_idx %arg11[%parallel_loop3A_642] : memref<8192xf32, #tpu.memory_space<vmem>>[vector<16xi32>], vector<16xf32>,
        %parallel_loop3A_644 = arith.cmpf ole, %parallel_loop3A_643, %parallel_loop3A_568 : vector<16xf32>
        %parallel_loop3A_645 = arith.constant 1 : i32
        %parallel_loop3A_646 = vector.broadcast %parallel_loop3A_645 : i32 to vector<16xi32>
        %parallel_loop3A_647 = arith.addi %parallel_loop3A_636, %parallel_loop3A_646 : vector<16xi32>
        %parallel_loop3A_648 = arith.select %parallel_loop3A_644, %parallel_loop3A_647, %parallel_loop3A_636 : vector<16xi1>, vector<16xi32>
        %parallel_loop3A_649 = arith.constant 1 : i32
        %parallel_loop3A_650 = vector.broadcast %parallel_loop3A_649 : i32 to vector<16xi32>
        %parallel_loop3A_651 = arith.subi %parallel_loop3A_648, %parallel_loop3A_650 : vector<16xi32>
        %parallel_loop3A_652 = arith.constant 0 : i32
        %parallel_loop3A_653 = vector.broadcast %parallel_loop3A_652 : i32 to vector<16xi32>
        %parallel_loop3A_654 = arith.maxsi %parallel_loop3A_651, %parallel_loop3A_653 : vector<16xi32>
        %parallel_loop3A_655 = vector.broadcast %parallel_loop3A_17 : i32 to vector<16xi32>
        %parallel_loop3A_656 = arith.addi %parallel_loop3A_654, %parallel_loop3A_655 : vector<16xi32>
        %parallel_loop3A_657 = tpu.vector_load_idx %arg11[%parallel_loop3A_656] : memref<8192xf32, #tpu.memory_space<vmem>>[vector<16xi32>], vector<16xf32>,
        %parallel_loop3A_658 = arith.constant 0 : i32
        %parallel_loop3A_659 = vector.broadcast %parallel_loop3A_658 : i32 to vector<16xi32>
        %parallel_loop3A_660 = arith.cmpi eq, %parallel_loop3A_648, %parallel_loop3A_659 : vector<16xi32>
        %parallel_loop3A_661 = arith.constant 0.000000e+00 : f32
        %parallel_loop3A_662 = vector.broadcast %parallel_loop3A_661 : f32 to vector<16xf32>
        %parallel_loop3A_663 = arith.select %parallel_loop3A_660, %parallel_loop3A_662, %parallel_loop3A_657 : vector<16xi1>, vector<16xf32>
        %parallel_loop3A_664 = arith.constant 63 : i32
        %parallel_loop3A_665 = vector.broadcast %parallel_loop3A_664 : i32 to vector<16xi32>
        %parallel_loop3A_666 = arith.minsi %parallel_loop3A_648, %parallel_loop3A_665 : vector<16xi32>
        %parallel_loop3A_667 = vector.broadcast %parallel_loop3A_17 : i32 to vector<16xi32>
        %parallel_loop3A_668 = arith.addi %parallel_loop3A_666, %parallel_loop3A_667 : vector<16xi32>
        %parallel_loop3A_669 = tpu.vector_load_idx %arg11[%parallel_loop3A_668] : memref<8192xf32, #tpu.memory_space<vmem>>[vector<16xi32>], vector<16xf32>,
        %parallel_loop3A_670 = tpu.vector_load_idx %arg9[%parallel_loop3A_18, %parallel_loop3A_648] : memref<128x65xf32, #tpu.memory_space<vmem>>[vector<16xi32>, vector<16xi32>], vector<16xf32>,
        %parallel_loop3A_671 = arith.constant 1 : i32
        %parallel_loop3A_672 = vector.broadcast %parallel_loop3A_671 : i32 to vector<16xi32>
        %parallel_loop3A_673 = arith.addi %parallel_loop3A_648, %parallel_loop3A_672 : vector<16xi32>
        %parallel_loop3A_674 = arith.constant 64 : i32
        %parallel_loop3A_675 = vector.broadcast %parallel_loop3A_674 : i32 to vector<16xi32>
        %parallel_loop3A_676 = arith.minsi %parallel_loop3A_673, %parallel_loop3A_675 : vector<16xi32>
        %parallel_loop3A_677 = tpu.vector_load_idx %arg9[%parallel_loop3A_18, %parallel_loop3A_676] : memref<128x65xf32, #tpu.memory_space<vmem>>[vector<16xi32>, vector<16xi32>], vector<16xf32>,
        %parallel_loop3A_678 = arith.subf %parallel_loop3A_669, %parallel_loop3A_663 : vector<16xf32>
        %parallel_loop3A_679 = arith.constant 9.99999974E-6 : f32
        %parallel_loop3A_680 = vector.broadcast %parallel_loop3A_679 : f32 to vector<16xf32>
        %parallel_loop3A_681 = arith.cmpf olt, %parallel_loop3A_678, %parallel_loop3A_680 : vector<16xf32>
        %parallel_loop3A_682 = arith.constant 1.000000e+00 : f32
        %parallel_loop3A_683 = vector.broadcast %parallel_loop3A_682 : f32 to vector<16xf32>
        %parallel_loop3A_684 = arith.select %parallel_loop3A_681, %parallel_loop3A_683, %parallel_loop3A_678 : vector<16xi1>, vector<16xf32>
        %parallel_loop3A_685 = arith.subf %parallel_loop3A_568, %parallel_loop3A_663 : vector<16xf32>
        %parallel_loop3A_686 = arith.divf %parallel_loop3A_685, %parallel_loop3A_684 : vector<16xf32>
        %parallel_loop3A_687 = arith.subf %parallel_loop3A_677, %parallel_loop3A_670 : vector<16xf32>
        %parallel_loop3A_688 = arith.mulf %parallel_loop3A_686, %parallel_loop3A_687 : vector<16xf32>
        %parallel_loop3A_689 = arith.addf %parallel_loop3A_670, %parallel_loop3A_688 : vector<16xf32>
        %parallel_loop3A_690 = arith.index_cast %parallel_loop3A_15 : i32 to index
        %parallel_loop3A_691 = arith.constant 48 : index
        %parallel_loop3A_692 = tpu.vector_load %arg12[%parallel_loop3A_690, %parallel_loop3A_691] {strides = array<i32>} : memref<128x64xf32, #tpu.memory_space<vmem>>, vector<16xf32>,
        tpu.vector_store %arg12[%parallel_loop3A_690, %parallel_loop3A_691], %parallel_loop3A_689 {strides = array<i32>} : memref<128x64xf32, #tpu.memory_space<vmem>>, vector<16xf32>,
      } {sc.loop_unroll_factor = 4 : i64, sc.parallel_access}
      "tpu.region"() ({
        %run_scoped3A = tpu.sem_alloc : memref<!tpu.dma_semaphore, #tpu.memory_space<semaphore_mem>>
        %dma_start3A = arith.constant 0 : i32
        %dma_start3A_15 = tpu.memref_slice %arg6[%add3A_12, %dma_start3A] : memref<16384x64xf32, #tpu.memory_space<hbm>> -> memref<128x64xf32, #tpu.memory_space<hbm>>
        %dma_start3A_16 = arith.constant 0 : i32
        %dma_start3A_17 = tpu.memref_slice %arg6[%add3A_12, %dma_start3A_16] : memref<16384x64xf32, #tpu.memory_space<hbm>> -> memref<128x64xf32, #tpu.memory_space<hbm>>
        tpu.enqueue_dma source(%arg12 : memref<128x64xf32, #tpu.memory_space<vmem>>) target(%dma_start3A_17 : memref<128x64xf32, #tpu.memory_space<hbm>>) target_semaphore(%run_scoped3A : memref<!tpu.dma_semaphore, #tpu.memory_space<semaphore_mem>>)
        %dma_wait3A = arith.constant 0 : i32
        %dma_wait3A_18 = tpu.memref_slice %arg6[%add3A_12, %dma_wait3A] : memref<16384x64xf32, #tpu.memory_space<hbm>> -> memref<128x64xf32, #tpu.memory_space<hbm>>
        %dma_wait3A_19 = arith.constant 0 : i32
        %dma_wait3A_20 = tpu.memref_slice %arg6[%add3A_12, %dma_wait3A_19] : memref<16384x64xf32, #tpu.memory_space<hbm>> -> memref<128x64xf32, #tpu.memory_space<hbm>>
        tpu.wait_dma2 semaphore(%run_scoped3A : memref<!tpu.dma_semaphore, #tpu.memory_space<semaphore_mem>>) src(%arg12 : memref<128x64xf32, #tpu.memory_space<vmem>>) dst(%dma_wait3A_20 : memref<128x64xf32, #tpu.memory_space<hbm>>)
        tpu.yield
      }) : () -> ()
    }
    %scan3A_6 = arith.constant 4 : i32
    return
  }
}

</mosaic_0001>

<sc_bundles>
// kernel: kernel.3.cloned.1.call-start
scs
__scs_entry_jumppad:
0x0: {  	(pc) =	sbr.rel $0x88, $3  }
0x1: {  	(tag) =	ssettag $0x0;
	lr =	simm.s32 $0x1  }
0x2: {  	[smem:$0x3F9D] =	sst lr;
	_ =	strace $0xD0000000  }
0x3: {  	_ = 	snop  }
0x4: {  	_ = 	snop  }
0x5: {  	_ = 	snop  }
0x6: {  	_ = 	snop  }
0x7: {  	_ = 	snop  }
__scs_overlays_trampoline_lowered:
0x8: {  	[smem:$0x3FAC] =	sst s0  }
0x9: {  	[smem:$0x3FAD] =	sst s1  }
0xa: {  	[smem:$0x3FAE] =	sst s2  }
0xb: {  	[smem:$0x3FAF] =	sst s3  }
0xc: {  	[smem:$0x3FB0] =	sst s4  }
0xd: {  	[smem:$0x3FB1] =	sst s5  }
0xe: {  	[smem:$0x3FB2] =	sst s6  }
0xf: {  	[smem:$0x3FB3] =	sst s7  }
0x10: {  	[smem:$0x3FB4] =	sst s8  }
0x11: {  	[smem:$0x3FB5] =	sst s9;
	s0 =	simm.s32 @!p0 $0x0  }
0x12: {  	s1 =	sld [smem:$0x3F9B];
	s0 =	simm.s32 @p0 $0x1  }
0x13: {  	[smem:$0x3FB6] =	sst s0;
	s0 =	simm.s32 @!p1 $0x0  }
0x14: {  	s2 =	sld [smem:$0x3F9A];
	s0 =	simm.s32 @p1 $0x1  }
0x15: {  	[smem:$0x3FB7] =	sst s0;
	s0 =	simm.s32 @!p2 $0x0  }
0x16: {  	s3 =	sld [smem:$0x3FDB];
	s0 =	simm.s32 @p2 $0x1  }
0x17: {  	s4 =	simm.s32 $0x1BF5;
	[smem:$0x3FB9] =	sst s0  }
0x18: {  	s0 =	sld [smem:$0x3F9C];
	_ =	swait.ge [sflag:s4], $0x0  }
0x19: {  	s7 =	sld [smem:$0x3F9D]  }
0x1a: {  	s8 =	sadd.s32 $0xFFFFE003, lr  }
0x1b: {  	s9 =	sadd.s32 $0xFFFFFEF7, lr;
	s5 =	simm.s32 $0xFFFFFFFF;
	p2 =	slt.u32 s8, $0xFFFFF086  }
0x1c: {  	p1 =	slt.u32 s9, $0xF7A;
	s5 =	simm.s32 @!p2 $0x0  }
0x1d: {  	s5 =	simm.s32 @p1 $0x1;
	p0 =	seq.s32 s7, s2  }
0x1e: {  	s7 =	smul.u32 @!p0 $0xF7A, s2;
	p2 =	seq.s32 @!p0 s5, $0x0  }
0x1f: {  	s9 =	smul.u32 $0xF7A, s1;
	s8 =	simm.s32 @!p0 $0x1BF5;
	p2 =	por !p2, p0  }
0x20: {  	[sflag:s8] =	ssyncset.s32 @!p0 $0xFFFFF086;
	s6 =	sadd.s32 @!p0 s3, s7;
	s7 =	simm.s32 @!p0 $0x108  }
0x21: {  	s3 =	sadd.s32 s3, s9;
	s6 =	sadd.s32 @!p0 $0x88, s6;
	s7 =	simm.s32 @p2 $0x1082  }
0x22: {  	[simem:s7], [sflag:s8] =	dma.local @!p0 [hbm:s6], $0xF7A  }
0x23: {  	s9 =	sor.u32 $0xD0000000, s2;
	s6 =	simm.s32 $0x108;
	_ =	swait.ge @!p0 [sflag:s8], $0x0  }
0x24: {  	s3 =	sadd.s32 $0x88, s3;
	s6 =	simm.s32 @!p1 $0x1082;
	[sflag:s4] =	ssyncset.s32 $0xFFFFF086  }
0x25: {  	[simem:s6], [sflag:s4] =	dma.local [hbm:s3], $0xF7A  }
0x26: {  	[smem:$0x3F9D] =	sst s1;
	(tag) =	ssettag s2;
	_ =	strace s9  }
0x27: {  	s1 =	sld [smem:$0x3FAD]  }
0x28: {  	s2 =	sld [smem:$0x3FAE]  }
0x29: {  	s4 =	sld [smem:$0x3FB0]  }
0x2a: {  	p0 =	seq.s32 s5, $0x0;
	s5 =	sld [smem:$0x3FB1]  }
0x2b: {  	s6 =	sld [smem:$0x3FB2]  }
0x2c: {  	s7 =	sld [smem:$0x3FB3]  }
0x2d: {  	s3 =	simm.s32 $0x108;
	s8 =	sld [smem:$0x3FB4]  }
0x2e: {  	s3 =	simm.s32 @!p0 $0x1082;
	s9 =	sld [smem:$0x3FB5]  }
0x2f: {  	lr =	sadd.s32 s0, s3;
	s0 =	sld [smem:$0x3FAC]  }
0x30: {  	s3 =	sld [smem:$0x3FAF]  }
0x31: {  	[smem:$0x3FB8] =	sst s10  }
0x32: {  	s10 =	sld [smem:$0x3FB6];
	_ =	sdelay $0x3  }
0x33: {  	p0 =	seq.s32 s10, $0x1;
	s10 =	sld [smem:$0x3FB8];
	_ =	sdelay $0x3  }
0x34: {  	[smem:$0x3FB8] =	sst s10  }
0x35: {  	s10 =	sld [smem:$0x3FB7];
	_ =	sdelay $0x3  }
0x36: {  	p1 =	seq.s32 s10, $0x1;
	s10 =	sld [smem:$0x3FB8];
	_ =	sdelay $0x3  }
0x37: {  	[smem:$0x3FB8] =	sst s10  }
0x38: {  	s10 =	sld [smem:$0x3FB9]  }
0x39: {  	_ = 	snop;
	(pc) =	sbr.ind lr, $3  }
0x3a: {  	_ = 	snop  }
0x3b: {  	_ = 	snop  }
0x3c: {  	p2 =	seq.s32 s10, $0x1;
	s10 =	sld [smem:$0x3FB8]  }
0x3d: {  	_ =	shalt  }
0x3e: {  	_ =	shalt  }
0x3f: {  	_ =	shalt  }
0x40: {  	_ =	shalt  }
0x41: {  	_ =	shalt  }
0x42: {  	_ =	shalt  }
0x43: {  	_ =	shalt  }
0x44: {  	_ =	shalt  }
0x45: {  	_ =	shalt  }
0x46: {  	_ =	shalt  }
0x47: {  	_ =	shalt  }
0x48: {  	_ =	shalt  }
0x49: {  	_ =	shalt  }
0x4a: {  	_ =	shalt  }
0x4b: {  	_ =	shalt  }
0x4c: {  	_ =	shalt  }
0x4d: {  	_ =	shalt  }
0x4e: {  	_ =	shalt  }
0x4f: {  	_ =	shalt  }
0x50: {  	_ =	shalt  }
0x51: {  	_ =	shalt  }
0x52: {  	_ =	shalt  }
0x53: {  	_ =	shalt  }
0x54: {  	_ =	shalt  }
0x55: {  	_ =	shalt  }
0x56: {  	_ =	shalt  }
0x57: {  	_ =	shalt  }
0x58: {  	_ =	shalt  }
0x59: {  	_ =	shalt  }
0x5a: {  	_ =	shalt  }
0x5b: {  	_ =	shalt  }
0x5c: {  	_ =	shalt  }
0x5d: {  	_ =	shalt  }
0x5e: {  	_ =	shalt  }
0x5f: {  	_ =	shalt  }
0x60: {  	_ =	shalt  }
0x61: {  	_ =	shalt  }
0x62: {  	_ =	shalt  }
0x63: {  	_ =	shalt  }
0x64: {  	_ =	shalt  }
0x65: {  	_ =	shalt  }
0x66: {  	_ =	shalt  }
0x67: {  	_ =	shalt  }
0x68: {  	_ =	shalt  }
0x69: {  	_ =	shalt  }
0x6a: {  	_ =	shalt  }
0x6b: {  	_ =	shalt  }
0x6c: {  	_ =	shalt  }
0x6d: {  	_ =	shalt  }
0x6e: {  	_ =	shalt  }
0x6f: {  	_ =	shalt  }
0x70: {  	_ =	shalt  }
0x71: {  	_ =	shalt  }
0x72: {  	_ =	shalt  }
0x73: {  	_ =	shalt  }
0x74: {  	_ =	shalt  }
0x75: {  	_ =	shalt  }
0x76: {  	_ =	shalt  }
0x77: {  	_ =	shalt  }
0x78: {  	_ =	shalt  }
0x79: {  	_ =	shalt  }
0x7a: {  	_ =	shalt  }
0x7b: {  	_ =	shalt  }
0x7c: {  	_ =	shalt  }
0x7d: {  	_ =	shalt  }
0x7e: {  	_ =	shalt  }
0x7f: {  	_ =	shalt  }
0x80: {  	_ =	shalt  }
0x81: {  	_ =	shalt  }
0x82: {  	_ =	shalt  }
0x83: {  	_ =	shalt  }
0x84: {  	_ =	shalt  }
0x85: {  	_ =	shalt  }
0x86: {  	_ =	shalt  }
0x87: {  	_ =	shalt  }
.Lfunc_end0:
.L_simem_size_0:
called_computation_lowered:
.L_overlay_start_0:
0x88: {  	s2 =	sld [smem:$0x3FD9]  }
0x89: {  	s3 =	sld [smem:$0x3FFE];
	_ =	sdelay $0x1  }
0x8a: {  	s1 =	srdreg.scid  }
0x8b: {  	s0 =	sand.u32 $0x1, s1  }
0x8c: {  	s16 =	sshll.u32 s0, $0xA;
	s2 =	sadd.s32 s3, s2  }
0x8d: {  	s2 =	sadd.s32 s2, s16  }
0x8e: {  	[smem:$0x3FC4] =	sst s2  }
0x8f: {  	_ = 	snop  }
0x90: {  	(tm) =	ssettm $0x1  }
0x91: {  	s17 =	sld [smem:$0x3FFB];
	_ =	sdelay $0x3  }
0x92: {  	_ =	strace s17  }
0x93: {  	s2 =	sld [smem:$0x3FFC];
	_ =	sdelay $0x3  }
0x94: {  	_ =	strace s2  }
0x95: {  	s2 =	sld [smem:$0x3FFD];
	_ =	sdelay $0x3  }
0x96: {  	_ =	strace s2  }
0x97: {  	_ =	strace $0x8FFFFFFF  }
0x98: {  	s18 =	sld [smem:$0x3FDB];
	_ =	sdelay $0x1  }
0x99: {  	s19 =	simm.s32 $_scs_section_size  }
0x9a: {  	s4 =	simm.s32 $_size__tile_overlayer_lowered;
	s5 =	simm.s32 $_tile_overlayer_lowered  }
0x9b: {  	s22 =	simm.s32 $0x1BFF;
	s21 =	sshll.u32 s5, $0x1;
	s2 =	sadd.s32 s19, s18  }
0x9c: {  	s6 =	simm.s32 $0x0;
	s20 =	sshll.u32 s4, $0x1;
	s4 =	sadd.s32 s21, s2  }
0x9d: {  	[timem:s6], [sflag:s22] =	dma.local [hbm:s4], s20  }
0x9e: {  	_ =	swait.ge [sflag:s22], s20  }
0x9f: {  	s3 =	ssub.s32 $0x0, s20;
	[sflag:s22] =	ssyncset.done $0x0  }
0xa0: {  	[sflag:s22] =	ssyncadd.s32 s3;
	_ =	sdelay $0x1  }
0xa1: {  	s23 =	simm.s32 $0x1B8B  }
0xa2: {  	_ =	swait.ge [sflag:s23], $0x1  }
0xa3: {  	[sflag:s23] =	ssyncset.done $0x0  }
0xa4: {  	s25 =	simm.s32 $0x1B8E;
	s24 =	sld [smem:$0x3FFE];
	[sflag:s23] =	ssyncadd.s32 $0xFFFFFFFF  }
0xa5: {  	s26 =	simm.s32 $execute0_lowered;
	[smem:$0x3FD2] =	sst s25  }
0xa6: {  	s4 =	sshll.u32 s26, $0x1;
	_ =	strace $0x80000046;
	[dreg:$0x1] =	wrdreg $0xFFFFFFFF  }
0xa7: {  	s28 =	simm.s32 $_size_execute0_lowered;
	s2 =	sadd.s32 s2, s4;
	[dreg:$0x0] =	wrdreg $0x0  }
0xa8: {  	s4 =	sshll.u32 s28, $0x1;
	[dreg:$0x2] =	wrdreg s2  }
0xa9: {  	[dreg:$0x3] =	wrdreg s4  }
0xaa: {  	[dreg:$0x4] =	wrdreg $0xC0  }
0xab: {  	_ =	task [dreg:s6], $0x5FFFF  }
0xac: {  	[dreg:$0x1] =	wrdreg $0xFFFFFFFF  }
0xad: {  	[dreg:$0x0] =	wrdreg $0x60  }
0xae: {  	[dreg:$0x2] =	wrdreg s24  }
0xaf: {  	[dreg:$0x3] =	wrdreg $0x9  }
0xb0: {  	_ =	task.clear_ibuf [dreg:s6], $0x4FFFF;
	_ =	strace $0x90000046  }
0xb1: {  	s29 =	simm.s32 $0x9;
	_ =	strace $0x80000048  }
0xb2: {  	_ =	swait.ge [sflag:s29], $0x1  }
0xb3: {  	[sflag:s29] =	ssyncadd.s32 $0xFFFFFFFF  }
0xb4: {  	_ =	strace $0x90000048  }
0xb5: {  	_ =	sfence  }
0xb6: {  	s30 =	sld [smem:$0x0];
	_ =	sdelay $0x2  }
0xb7: {  	s31 =	sshll.u32 s1, $0xD;
	s1 =	sshrl.u32 s1, $0x2  }
0xb8: {  	s3 =	sand.u32 $0x4000, s31;
	s1 =	sadd.s32 s1, s30  }
0xb9: {  	s0 =	sor.u32 s3, s0;
	s1 =	sshll.u32 s1, $0x11  }
0xba: {  	s0 =	sor.u32 s1, s0  }
0xbb: {  	s0 =	sadd.s32 $0x8F2B, s0  }
0xbc: {  	[sflag:s0] =	ssyncadd.remote.s32 $0x1  }
0xbd: {  	_ =	sfence.sel $0xFFFF  }
0xbe: {  	[dreg:$0x0] =	wrdreg $0xFFFFFFFF;
	(pc) =	sbr.abs _section_cstart, $3  }
0xbf: {  	[dreg:$0x1] =	wrdreg $0xFFFFFFFF  }
0xc0: {  	_ =	task.clear_ibuf [dreg:s6], $0x2FFFF;
	_ =	strace $0x9FFFFFFF  }
0xc1: {  	(tm) =	ssettm $0x7FFFFFFF  }
tec
execute0_lowered:
.L_overlay_start_1:
0x0: {  	(tag) =	ssettag $0x1  }
0x1: {  	v0 =	vimm.f32 $1.600000000e+01  }
0x2: {  	vm14 =	vcmask $0x300;
	vm13 =	vcmask $0x704;
	vm12 =	vcmask $0xB08  }
0x3: {  	vm11 =	vcmask $0xF0C;
	vm10 =	vcmask $0x1310;
	vm9 =	vcmask $0x1714  }
0x4: {  	vm8 =	vcmask $0x1B18;
	vm7 =	vcmask $0x1F1C;
	vm6 =	vcmask $0x2320  }
0x5: {  	vm5 =	vcmask $0x2724;
	vm4 =	vcmask $0x2B28;
	vm3 =	vcmask $0x2F2C  }
0x6: {  	vm2 =	vcmask $0x3330;
	vm0 =	vcmask $0x3734;
	vm1 =	vcmask $0x3B38  }
0x7: {  	v2 =	vimm.f32 $3.200000000e+01;
	v3 =	vimm.f32 $4.800000000e+01;
	v4 =	vimm.f32 $6.400000000e+01  }
0x8: {  	v5 =	vimm.s32 $0x0;
	v6 =	vimm.s32 $0x1;
	v0 =	vsel vm14, $0x3F800000, v0  }
0x9: {  	v2 =	vsel vm14, $0x41880000, v2;
	v3 =	vsel vm14, $0x42040000, v3;
	v4 =	vsel vm14, $0x42440000, v4  }
0xa: {  	v0 =	vsel vm13, $0x40000000, v0;
	v2 =	vsel vm13, $0x41900000, v2;
	v3 =	vsel vm13, $0x42080000, v3  }
0xb: {  	v4 =	vsel vm13, $0x42480000, v4;
	v0 =	vsel vm12, $0x40400000, v0;
	v2 =	vsel vm12, $0x41980000, v2  }
0xc: {  	v3 =	vsel vm12, $0x420C0000, v3;
	v4 =	vsel vm12, $0x424C0000, v4;
	v0 =	vsel vm11, $0x40800000, v0  }
0xd: {  	v2 =	vsel vm11, $0x41A00000, v2;
	v3 =	vsel vm11, $0x42100000, v3;
	v4 =	vsel vm11, $0x42500000, v4  }
0xe: {  	v0 =	vsel vm10, $0x40A00000, v0;
	v2 =	vsel vm10, $0x41A80000, v2;
	v3 =	vsel vm10, $0x42140000, v3  }
0xf: {  	v4 =	vsel vm10, $0x42540000, v4;
	v0 =	vsel vm9, $0x40C00000, v0;
	v2 =	vsel vm9, $0x41B00000, v2  }
0x10: {  	v3 =	vsel vm9, $0x42180000, v3;
	v4 =	vsel vm9, $0x42580000, v4;
	v0 =	vsel vm8, $0x40E00000, v0  }
0x11: {  	v2 =	vsel vm8, $0x41B80000, v2;
	v3 =	vsel vm8, $0x421C0000, v3;
	v4 =	vsel vm8, $0x425C0000, v4  }
0x12: {  	v0 =	vsel vm7, $0x41000000, v0;
	v2 =	vsel vm7, $0x41C00000, v2;
	v3 =	vsel vm7, $0x42200000, v3  }
0x13: {  	v4 =	vsel vm7, $0x42600000, v4;
	v0 =	vsel vm6, $0x41100000, v0;
	v2 =	vsel vm6, $0x41C80000, v2  }
0x14: {  	s0 =	rddreg [dreg:$0x0];
	s1 =	simm.s32 $0x0;
	v3 =	vsel vm6, $0x42240000, v3;
	v4 =	vsel vm6, $0x42640000, v4;
	v0 =	vsel vm5, $0x41200000, v0  }
0x15: {  	s4 =	srdreg.scid;
	s9 =	stileid.u32;
	s10 =	simm.s32 $0x1;
	v2 =	vsel vm5, $0x41D00000, v2;
	v3 =	vsel vm5, $0x42280000, v3;
	v4 =	vsel vm5, $0x42680000, v4  }
0x16: {  	s11 =	simm.s32 $0x4000;
	s12 =	simm.s32 $0x8000;
	s13 =	simm.s32 $0xC000;
	v0 =	vsel vm4, $0x41300000, v0;
	v2 =	vsel vm4, $0x41D80000, v2;
	v3 =	vsel vm4, $0x422C0000, v3  }
0x17: {  	s14 =	simm.s32 $0x10000;
	s15 =	simm.s32 $0x12000;
	s16 =	simm.s32 $0x0;
	v4 =	vsel vm4, $0x426C0000, v4;
	v0 =	vsel vm3, $0x41400000, v0;
	v2 =	vsel vm3, $0x41E00000, v2  }
0x18: {  	[smem:$0x7FF] =	sst s1;
	s2 =	sadd.s32 $0x1000, s0;
	s6 =	sand.u32 $0x1, s4;
	v3 =	vsel vm3, $0x42300000, v3;
	v4 =	vsel vm3, $0x42700000, v4;
	v1 =	vsel vm2, $0x41500000, v0  }
0x19: {  	s3 =	sadd.s32 $0x41000, s0;
	s4 =	sadd.s32 $0x81000, s0;
	s8 =	ssub.s32 $0x2, s6;
	v0 =	vimm.s32 $0xF;
	v2 =	vsel vm2, $0x41E80000, v2;
	v3 =	vsel vm2, $0x42340000, v3  }
0x1a: {  	s5 =	sadd.s32 $0xC1000, s0;
	s7 =	sadd.s32 $0x101000, s0;
	s30 =	sshrl.u32 s8, $0x1;
	v4 =	vsel vm2, $0x42740000, v4;
	v1 =	vsel vm0, $0x41600000, v1;
	v2 =	vsel vm0, $0x41F00000, v2  }
0x1b: {  	s31 =	sshll.u32 s9, $0xE;
	s6 =	sshll.u32 s6, $0xD;
	s0 =	ssub.s32 s8, s30;
	v3 =	vsel vm0, $0x42380000, v3;
	v4 =	vsel vm0, $0x42780000, v4;
	v1 =	vsel vm1, $0x41700000, v1  }
0x1c: {  	_ =	strace $0x80000047;
	s8 =	sor.u32 s6, s31;
	s9 =	smax.u32 s0, $0x1;
	v2 =	vsel vm1, $0x41F80000, v2;
	v3 =	vsel vm1, $0x423C0000, v3;
	v4 =	vsel vm1, $0x427C0000, v4  }
.LBB2_1:
0x1d: {  	s17 =	simm.s32 $0x0  }
.LBB2_2:
0x1e: {  	s0 =	sshll.u32 s17, $0xB  }
0x1f: {  	s18 =	sadd.s32 s8, s0  }
0x20: {  	s19 =	simm.s32 $0x0;
	s0 =	sadd.s32 s2, s18  }
0x21: {  	[tilespmem:s19], [sflag:$0x1] =	stream.linear.gather [hbm4b:s0+s19], $0x4000, $0x38;
	[tilespmem:$0x16000] =	vst v63  }
0x22: {  	_ =	swait.ge [sflag:s10], $0x4000  }
0x23: {  	[sflag:s10] =	ssyncset.done $0x0  }
0x24: {  	s29 =	sadd.s32 s3, s18;
	[sflag:s10] =	ssyncadd.s32 $0xFFFFC000  }
0x25: {  	[tilespmem:s11], [sflag:$0x1] =	stream.linear.gather [hbm4b:s29+s19], $0x4000, $0x38;
	[tilespmem:$0x16000] =	vst v63  }
0x26: {  	_ =	swait.ge [sflag:s10], $0x4000  }
0x27: {  	[sflag:s10] =	ssyncset.done $0x0  }
0x28: {  	s30 =	sadd.s32 s4, s18;
	[sflag:s10] =	ssyncadd.s32 $0xFFFFC000  }
0x29: {  	[tilespmem:s12], [sflag:$0x1] =	stream.linear.gather [hbm4b:s30+s19], $0x4000, $0x38;
	[tilespmem:$0x16000] =	vst v63  }
0x2a: {  	_ =	swait.ge [sflag:s10], $0x4000  }
0x2b: {  	[sflag:s10] =	ssyncset.done $0x0  }
0x2c: {  	s31 =	sadd.s32 s5, s18;
	[sflag:s10] =	ssyncadd.s32 $0xFFFFC000  }
0x2d: {  	[tilespmem:s13], [sflag:$0x1] =	stream.linear.gather [hbm4b:s31+s19], $0x4000, $0x38;
	[tilespmem:$0x16000] =	vst v63  }
0x2e: {  	s20 =	simm.s32 $0xC7;
	s21 =	simm.s32 $0x12100;
	_ =	swait.ge [sflag:s10], $0x4000  }
0x2f: {  	s22 =	simm.s32 $0xC100;
	s23 =	simm.s32 $0x4100;
	[sflag:s10] =	ssyncset.done $0x0  }
0x30: {  	s24 =	simm.s32 $0x100;
	s25 =	simm.s32 $0x10080;
	[sflag:s10] =	ssyncadd.s32 $0xFFFFC000  }
.LBB2_3:
0x31: {  	v7 =	vld [tilespmem:s24+$0xFFFFFF00]  }
0x32: {  	v8 =	vld [tilespmem:s23+$0xFFFFFF00];
	_ =	sdelay $0x2  }
0x33: {  	v9 =	vld [tilespmem:s24+$0xFFFFFF10]  }
0x34: {  	v10 =	vld [tilespmem:s23+$0xFFFFFF10]  }
0x35: {  	v7 =	vmul.f32 v8, v7;
	_ =	sdelay $0x1  }
0x36: {  	v8 =	vld [tilespmem:s23+$0xFFFFFF20];
	(xrf2) =	vadd.scan.msk.f32 $0xffff, v7  }
0x37: {  	v7 =	vld [tilespmem:s24+$0xFFFFFF20]  }
0x38: {  	v9 =	vmul.f32 v10, v9;
	_ =	sdelay $0x1  }
0x39: {  	v58 =	vld [tilespmem:s24+$0xFFFFFF30];
	(xrf2) =	vadd.scan.msk.f32 $0xffff, v9  }
0x3a: {  	v59 =	vld [tilespmem:s23+$0xFFFFFF30]  }
0x3b: {  	v7 =	vmul.f32 v8, v7;
	_ =	sdelay $0x1  }
0x3c: {  	(xrf2) =	vadd.scan.msk.f32 $0xffff, v7;
	_ =	sdelay $0x1  }
0x3d: {  	v8 =	vmul.f32 v59, v58;
	v7, _, _ =	vpop (xrf2)  }
0x3e: {  	v7 =	vadd.f32 $0.0e+00, v7  }
0x3f: {  	(xrf2) =	vadd.scan.msk.f32 $0xffff, v8  }
0x40: {  	v8 =	vperm.xlane v7, v0  }
0x41: {  	v60, _, _ =	vpop (xrf2)  }
0x42: {  	v8 =	vadd.f32 v8, v60;
	_ =	sdelay $0x1  }
0x43: {  	v9 =	vperm.xlane v8, v0  }
0x44: {  	v61, _, _ =	vpop (xrf2)  }
0x45: {  	v9 =	vadd.f32 v9, v61;
	_ =	sdelay $0x1  }
0x46: {  	v10 =	vperm.xlane v9, v0  }
0x47: {  	v7 =	vsub.f32 $0.0e+00, v7;
	v11, _, _ =	vpop (xrf2)  }
0x48: {  	v8 =	vsub.f32 $0.0e+00, v8;
	v10 =	vadd.f32 v10, v11  }
0x49: {  	v7 =	vmul.f32 $1.442695020e+00, v7;
	v9 =	vsub.f32 $0.0e+00, v9  }
0x4a: {  	v8 =	vmul.f32 $1.442695020e+00, v8;
	v10 =	vsub.f32 $0.0e+00, v10  }
0x4b: {  	(erf) = vpow2.f32 v7;
	v7 =	vmul.f32 $1.442695020e+00, v9  }
0x4c: {  	(erf) = vpow2.f32 v8;
	v8 =	vmul.f32 $1.442695020e+00, v10  }
0x4d: {  	(erf) = vpow2.f32 v7  }
0x4e: {  	(erf) = vpow2.f32 v8;
	_ =	sdelay $0x5  }
0x4f: {  	v7 =	vpop (erf)  }
0x50: {  	v8 =	vpop (erf)  }
0x51: {  	v62 =	vpop (erf)  }
0x52: {  	v63 =	vpop (erf)  }
0x53: {  	v16 =	vperm.xlane v63, v0;
	_ =	sdelay $0x1  }
0x54: {  	v11 =	vsub.f32 $1.000000000e+00, v16;
	_ =	sdelay $0x1  }
0x55: {  	v12 =	vsub.f32 $9.999999740e-06, v11;
	_ =	sdelay $0x1  }
0x56: {  	v12 =	vmax.f32 v12, $0.0e+00  }
0x57: {  	v11 =	vadd.f32 v12, v11;
	_ =	sdelay $0x1  }
0x58: {  	(erf) = vrcp.f32 v11;
	_ =	sdelay $0x3  }
0x59: {  	v17 =	vmul.f32 $1.562500000e-02, v12;
	_ =	sdelay $0x1  }
0x5a: {  	v7 =	vsub.f32 $1.000000000e+00, v7;
	v12 =	vmul.f32 v1, v17  }
0x5b: {  	v8 =	vsub.f32 $1.000000000e+00, v8;
	v13 =	vmul.f32 v2, v17  }
0x5c: {  	v9 =	vsub.f32 $1.000000000e+00, v62;
	v18 =	vmul.f32 v3, v17;
	v7 =	vadd.f32 v12, v7  }
0x5d: {  	v10 =	vsub.f32 $1.000000000e+00, v63;
	v11 =	vmul.f32 v4, v17;
	v8 =	vadd.f32 v13, v8;
	v14 =	vpop (erf)  }
0x5e: {  	v9 =	vadd.f32 v18, v9;
	v7 =	vmul.f32 v7, v14  }
0x5f: {  	v10 =	vadd.f32 v11, v10;
	v8 =	vmul.f32 v8, v14  }
0x60: {  	v9 =	vmul.f32 v9, v14;
	v7 =	vmin.f32 v7, $1.000000000e+00  }
0x61: {  	v10 =	vmul.f32 v10, v14;
	v8 =	vmin.f32 v8, $1.000000000e+00;
	[tilespmem:s25+$0xFFFFFF80] =	vst v7  }
0x62: {  	v19 =	vmin.f32 v9, $1.000000000e+00;
	[tilespmem:s25+$0xFFFFFF90] =	vst v8  }
0x63: {  	v20 =	vmin.f32 v10, $1.000000000e+00;
	[tilespmem:s25+$0xFFFFFFA0] =	vst v19  }
0x64: {  	[tilespmem:s25+$0xFFFFFFB0] =	vst v20  }
0x65: {  	v21 =	vld [tilespmem:s22+$0xFFFFFF00];
	_ =	sdelay $0x2  }
0x66: {  	v22 =	vperm.xlane v7, v0;
	v23 =	vperm.xlane v8, v0  }
0x67: {  	v8 =	vperm.xlane v19, v0  }
0x68: {  	vm0 =	vle.f32 v22, v21;
	vm1 =	vle.f32 v23, v21  }
0x69: {  	vm14 =	vle.f32 v8, v21;
	v7 =	vsel vm0, $0x10, v5;
	v24 =	vsel vm1, $0x10, v5  }
0x6a: {  	v25 =	vsel vm14, $0x10, v5;
	v7 =	vadd.s32 v24, v7  }
0x6b: {  	s29 =	sadd.s32 $0xFFFFFF40, s20;
	v7 =	vadd.s32 v25, v7  }
0x6c: {  	v11 =	vor.u32 s29, v7;
	_ =	sdelay $0x4  }
0x6d: {  	v11 =	vld.idx.msk [tilespmem:v11+s14+$0x0], $0xffff;
	_ =	sdelay $0x4  }
0x6e: {  	v26 =	vor.u32 $0x8, v7;
	vm15 =	vle.f32 v11, v21  }
0x6f: {  	s30 =	sadd.s32 $0xFFFFFF3C, s20;
	v7 =	vsel vm15, v26, v7  }
0x70: {  	v11 =	vor.u32 s30, v7;
	_ =	sdelay $0x4  }
0x71: {  	v11 =	vld.idx.msk [tilespmem:v11+s14+$0x0], $0xffff;
	_ =	sdelay $0x4  }
0x72: {  	v27 =	vor.u32 $0x4, v7;
	vm4 =	vle.f32 v11, v21  }
0x73: {  	s31 =	sadd.s32 $0xFFFFFF3A, s20;
	v7 =	vsel vm4, v27, v7  }
0x74: {  	v11 =	vadd.s32 s31, v7;
	_ =	sdelay $0x4  }
0x75: {  	v11 =	vld.idx.msk [tilespmem:v11+s14+$0x0], $0xffff;
	_ =	sdelay $0x4  }
0x76: {  	v28 =	vadd.s32 $0x2, v7;
	vm5 =	vle.f32 v11, v21  }
0x77: {  	s28 =	sadd.s32 $0xFFFFFF39, s20;
	v7 =	vsel vm5, v28, v7  }
0x78: {  	v11 =	vadd.s32 s28, v7;
	_ =	sdelay $0x4  }
0x79: {  	v11 =	vld.idx.msk [tilespmem:v11+s14+$0x0], $0xffff;
	_ =	sdelay $0x4  }
0x7a: {  	vm6 =	vle.f32 v11, v21  }
0x7b: {  	v11 =	vsel vm6, $0x1, v5  }
0x7c: {  	v7 =	vadd.s32 v11, v7  }
0x7d: {  	v11 =	vadd.s32 s28, v7;
	_ =	sdelay $0x4  }
0x7e: {  	v11 =	vld.idx.msk [tilespmem:v11+s14+$0x0], $0xffff;
	_ =	sdelay $0x4  }
0x7f: {  	vm7 =	vle.f32 v11, v21  }
0x80: {  	v11 =	vsel vm7, $0x1, v5  }
0x81: {  	v7 =	vadd.s32 v11, v7  }
0x82: {  	v11 =	vmax.u32 v7, $0x1  }
0x83: {  	v11 =	vsub.s32 v11, v6  }
0x84: {  	v29 =	vmin.u32 v7, $0x3F;
	v11 =	vadd.s32 s28, v11  }
0x85: {  	v30 =	vor.u32 s28, v29;
	_ =	sdelay $0x3  }
0x86: {  	v11 =	vld.idx.msk [tilespmem:v11+s14+$0x0], $0xffff  }
0x87: {  	v14 =	vld.idx.msk [tilespmem:v30+s14+$0x0], $0xffff;
	_ =	sdelay $0x2  }
0x88: {  	vm8 =	veq.s32 v7, $0x0  }
0x89: {  	v11 =	vsel vm8, $0x0, v11  }
0x8a: {  	v14 =	vsub.f32 v14, v11;
	_ =	sdelay $0x1  }
0x8b: {  	s26 =	sshll.u32 s19, $0x7;
	vm9 =	vlt.f32 v14, $9.999999740e-06  }
0x8c: {  	v7 =	vor.u32 s26, v7;
	v13 =	vor.u32 s26, v29;
	v14 =	vsel vm9, $0x3F800000, v14  }
0x8d: {  	v13 =	vadd.s32 $0x1, v13;
	(erf) = vrcp.f32 v14;
	_ =	sdelay $0x3  }
0x8e: {  	v7 =	vld.idx.msk [tilespmem:v7+s12+$0x0], $0xffff  }
0x8f: {  	v13 =	vld.idx.msk [tilespmem:v13+s12+$0x0], $0xffff;
	_ =	sdelay $0x2  }
0x90: {  	v11 =	vsub.f32 v21, v11  }
0x91: {  	v31 =	vpop (erf)  }
0x92: {  	v32 =	vsub.f32 v13, v7;
	v11 =	vmul.f32 v31, v11;
	_ =	sdelay $0x1  }
0x93: {  	v11 =	vmul.f32 v11, v32;
	_ =	sdelay $0x1  }
0x94: {  	v7 =	vadd.f32 v11, v7;
	_ =	sdelay $0x1  }
0x95: {  	[tilespmem:s21+$0xFFFFFF00] =	vst v7  }
0x96: {  	v7 =	vld [tilespmem:s22+$0xFFFFFF10];
	_ =	sdelay $0x4  }
0x97: {  	vm10 =	vle.f32 v22, v7;
	vm11 =	vle.f32 v23, v7  }
0x98: {  	vm12 =	vle.f32 v8, v7;
	v33 =	vsel vm10, $0x10, v5;
	v34 =	vsel vm11, $0x10, v5  }
0x99: {  	v35 =	vsel vm12, $0x10, v5;
	v11 =	vadd.s32 v34, v33  }
0x9a: {  	v11 =	vadd.s32 v35, v11  }
0x9b: {  	v12 =	vor.u32 s29, v11;
	_ =	sdelay $0x4  }
0x9c: {  	v12 =	vld.idx.msk [tilespmem:v12+s14+$0x0], $0xffff;
	_ =	sdelay $0x4  }
0x9d: {  	v36 =	vor.u32 $0x8, v11;
	vm13 =	vle.f32 v12, v7  }
0x9e: {  	v11 =	vsel vm13, v36, v11  }
0x9f: {  	v12 =	vor.u32 s30, v11;
	_ =	sdelay $0x4  }
0xa0: {  	v12 =	vld.idx.msk [tilespmem:v12+s14+$0x0], $0xffff;
	_ =	sdelay $0x4  }
0xa1: {  	v37 =	vor.u32 $0x4, v11;
	vm14 =	vle.f32 v12, v7  }
0xa2: {  	v11 =	vsel vm14, v37, v11  }
0xa3: {  	v12 =	vadd.s32 s31, v11;
	_ =	sdelay $0x4  }
0xa4: {  	v12 =	vld.idx.msk [tilespmem:v12+s14+$0x0], $0xffff;
	_ =	sdelay $0x4  }
0xa5: {  	v38 =	vadd.s32 $0x2, v11;
	vm15 =	vle.f32 v12, v7  }
0xa6: {  	v11 =	vsel vm15, v38, v11  }
0xa7: {  	v12 =	vadd.s32 s28, v11;
	_ =	sdelay $0x4  }
0xa8: {  	v12 =	vld.idx.msk [tilespmem:v12+s14+$0x0], $0xffff;
	_ =	sdelay $0x4  }
0xa9: {  	vm4 =	vle.f32 v12, v7  }
0xaa: {  	v12 =	vsel vm4, $0x1, v5  }
0xab: {  	v11 =	vadd.s32 v12, v11  }
0xac: {  	v12 =	vadd.s32 s28, v11;
	_ =	sdelay $0x4  }
0xad: {  	v12 =	vld.idx.msk [tilespmem:v12+s14+$0x0], $0xffff;
	_ =	sdelay $0x4  }
0xae: {  	vm5 =	vle.f32 v12, v7  }
0xaf: {  	v12 =	vsel vm5, $0x1, v5  }
0xb0: {  	v11 =	vadd.s32 v12, v11  }
0xb1: {  	v12 =	vmax.u32 v11, $0x1  }
0xb2: {  	v12 =	vsub.s32 v12, v6  }
0xb3: {  	v39 =	vmin.u32 v11, $0x3F;
	v12 =	vadd.s32 s28, v12  }
0xb4: {  	v40 =	vor.u32 s28, v39;
	_ =	sdelay $0x3  }
0xb5: {  	v12 =	vld.idx.msk [tilespmem:v12+s14+$0x0], $0xffff  }
0xb6: {  	v14 =	vld.idx.msk [tilespmem:v40+s14+$0x0], $0xffff;
	_ =	sdelay $0x2  }
0xb7: {  	vm6 =	veq.s32 v11, $0x0  }
0xb8: {  	v12 =	vsel vm6, $0x0, v12  }
0xb9: {  	v14 =	vsub.f32 v14, v12;
	_ =	sdelay $0x1  }
0xba: {  	vm7 =	vlt.f32 v14, $9.999999740e-06  }
0xbb: {  	v11 =	vor.u32 s26, v11;
	v13 =	vor.u32 s26, v39;
	v14 =	vsel vm7, $0x3F800000, v14  }
0xbc: {  	v13 =	vadd.s32 $0x1, v13;
	(erf) = vrcp.f32 v14;
	_ =	sdelay $0x3  }
0xbd: {  	v11 =	vld.idx.msk [tilespmem:v11+s12+$0x0], $0xffff  }
0xbe: {  	v13 =	vld.idx.msk [tilespmem:v13+s12+$0x0], $0xffff;
	_ =	sdelay $0x2  }
0xbf: {  	v7 =	vsub.f32 v7, v12  }
0xc0: {  	v41 =	vpop (erf)  }
0xc1: {  	v42 =	vsub.f32 v13, v11;
	v7 =	vmul.f32 v41, v7;
	_ =	sdelay $0x1  }
0xc2: {  	v7 =	vmul.f32 v7, v42;
	_ =	sdelay $0x1  }
0xc3: {  	v7 =	vadd.f32 v7, v11;
	_ =	sdelay $0x1  }
0xc4: {  	[tilespmem:s21+$0xFFFFFF10] =	vst v7  }
0xc5: {  	v7 =	vld [tilespmem:s22+$0xFFFFFF20];
	_ =	sdelay $0x4  }
0xc6: {  	vm8 =	vle.f32 v22, v7;
	vm9 =	vle.f32 v23, v7  }
0xc7: {  	vm10 =	vle.f32 v8, v7;
	v43 =	vsel vm8, $0x10, v5;
	v44 =	vsel vm9, $0x10, v5  }
0xc8: {  	v45 =	vsel vm10, $0x10, v5;
	v11 =	vadd.s32 v44, v43  }
0xc9: {  	v11 =	vadd.s32 v45, v11  }
0xca: {  	v12 =	vor.u32 s29, v11;
	_ =	sdelay $0x4  }
0xcb: {  	v12 =	vld.idx.msk [tilespmem:v12+s14+$0x0], $0xffff;
	_ =	sdelay $0x4  }
0xcc: {  	v46 =	vor.u32 $0x8, v11;
	vm11 =	vle.f32 v12, v7  }
0xcd: {  	v11 =	vsel vm11, v46, v11  }
0xce: {  	v12 =	vor.u32 s30, v11;
	_ =	sdelay $0x4  }
0xcf: {  	v12 =	vld.idx.msk [tilespmem:v12+s14+$0x0], $0xffff;
	_ =	sdelay $0x4  }
0xd0: {  	v47 =	vor.u32 $0x4, v11;
	vm12 =	vle.f32 v12, v7  }
0xd1: {  	v11 =	vsel vm12, v47, v11  }
0xd2: {  	v12 =	vadd.s32 s31, v11;
	_ =	sdelay $0x4  }
0xd3: {  	v12 =	vld.idx.msk [tilespmem:v12+s14+$0x0], $0xffff;
	_ =	sdelay $0x4  }
0xd4: {  	v48 =	vadd.s32 $0x2, v11;
	vm13 =	vle.f32 v12, v7  }
0xd5: {  	v11 =	vsel vm13, v48, v11  }
0xd6: {  	v12 =	vadd.s32 s28, v11;
	_ =	sdelay $0x4  }
0xd7: {  	v12 =	vld.idx.msk [tilespmem:v12+s14+$0x0], $0xffff;
	_ =	sdelay $0x4  }
0xd8: {  	vm14 =	vle.f32 v12, v7  }
0xd9: {  	v12 =	vsel vm14, $0x1, v5  }
0xda: {  	v11 =	vadd.s32 v12, v11  }
0xdb: {  	v12 =	vadd.s32 s28, v11;
	_ =	sdelay $0x4  }
0xdc: {  	v12 =	vld.idx.msk [tilespmem:v12+s14+$0x0], $0xffff;
	_ =	sdelay $0x4  }
0xdd: {  	vm15 =	vle.f32 v12, v7  }
0xde: {  	v12 =	vsel vm15, $0x1, v5  }
0xdf: {  	v11 =	vadd.s32 v12, v11  }
0xe0: {  	v12 =	vmax.u32 v11, $0x1  }
0xe1: {  	v12 =	vsub.s32 v12, v6  }
0xe2: {  	v49 =	vmin.u32 v11, $0x3F;
	v12 =	vadd.s32 s28, v12  }
0xe3: {  	v50 =	vor.u32 s28, v49;
	_ =	sdelay $0x3  }
0xe4: {  	v12 =	vld.idx.msk [tilespmem:v12+s14+$0x0], $0xffff  }
0xe5: {  	v14 =	vld.idx.msk [tilespmem:v50+s14+$0x0], $0xffff;
	_ =	sdelay $0x2  }
0xe6: {  	vm4 =	veq.s32 v11, $0x0  }
0xe7: {  	v12 =	vsel vm4, $0x0, v12  }
0xe8: {  	v14 =	vsub.f32 v14, v12;
	_ =	sdelay $0x1  }
0xe9: {  	vm5 =	vlt.f32 v14, $9.999999740e-06  }
0xea: {  	v11 =	vor.u32 s26, v11;
	v13 =	vor.u32 s26, v49;
	v14 =	vsel vm5, $0x3F800000, v14  }
0xeb: {  	v13 =	vadd.s32 $0x1, v13;
	(erf) = vrcp.f32 v14;
	_ =	sdelay $0x3  }
0xec: {  	v11 =	vld.idx.msk [tilespmem:v11+s12+$0x0], $0xffff  }
0xed: {  	v13 =	vld.idx.msk [tilespmem:v13+s12+$0x0], $0xffff;
	_ =	sdelay $0x2  }
0xee: {  	v7 =	vsub.f32 v7, v12  }
0xef: {  	v51 =	vpop (erf)  }
0xf0: {  	v52 =	vsub.f32 v13, v11;
	v7 =	vmul.f32 v51, v7;
	_ =	sdelay $0x1  }
0xf1: {  	v7 =	vmul.f32 v7, v52;
	_ =	sdelay $0x1  }
0xf2: {  	v7 =	vadd.f32 v7, v11;
	_ =	sdelay $0x1  }
0xf3: {  	[tilespmem:s21+$0xFFFFFF20] =	vst v7  }
0xf4: {  	v7 =	vld [tilespmem:s22+$0xFFFFFF30];
	_ =	sdelay $0x4  }
0xf5: {  	vm6 =	vle.f32 v22, v7;
	vm7 =	vle.f32 v23, v7  }
0xf6: {  	vm8 =	vle.f32 v8, v7;
	v9 =	vsel vm6, $0x10, v5;
	v10 =	vsel vm7, $0x10, v5  }
0xf7: {  	v53 =	vsel vm8, $0x10, v5;
	v8 =	vadd.s32 v10, v9  }
0xf8: {  	v8 =	vadd.s32 v53, v8  }
0xf9: {  	v9 =	vor.u32 s29, v8;
	_ =	sdelay $0x4  }
0xfa: {  	v9 =	vld.idx.msk [tilespmem:v9+s14+$0x0], $0xffff;
	_ =	sdelay $0x4  }
0xfb: {  	v54 =	vor.u32 $0x8, v8;
	vm9 =	vle.f32 v9, v7  }
0xfc: {  	v8 =	vsel vm9, v54, v8  }
0xfd: {  	v9 =	vor.u32 s30, v8;
	_ =	sdelay $0x4  }
0xfe: {  	v9 =	vld.idx.msk [tilespmem:v9+s14+$0x0], $0xffff;
	_ =	sdelay $0x4  }
0xff: {  	v55 =	vor.u32 $0x4, v8;
	vm10 =	vle.f32 v9, v7  }
0x100: {  	v8 =	vsel vm10, v55, v8  }
0x101: {  	v9 =	vadd.s32 s31, v8;
	_ =	sdelay $0x4  }
0x102: {  	v9 =	vld.idx.msk [tilespmem:v9+s14+$0x0], $0xffff;
	_ =	sdelay $0x4  }
0x103: {  	v56 =	vadd.s32 $0x2, v8;
	vm11 =	vle.f32 v9, v7  }
0x104: {  	v8 =	vsel vm11, v56, v8  }
0x105: {  	v9 =	vadd.s32 s28, v8;
	_ =	sdelay $0x4  }
0x106: {  	v9 =	vld.idx.msk [tilespmem:v9+s14+$0x0], $0xffff;
	_ =	sdelay $0x4  }
0x107: {  	v57 =	vld [tilespmem:s24+$0xFFFFFF80];
	vm12 =	vle.f32 v9, v7  }
0x108: {  	v58 =	vld [tilespmem:s23+$0xFFFFFF80];
	v9 =	vsel vm12, $0x1, v5  }
0x109: {  	v8 =	vadd.s32 v9, v8  }
0x10a: {  	v59 =	vadd.s32 s28, v8  }
0x10b: {  	v60 =	vld [tilespmem:s24+$0xFFFFFF90]  }
0x10c: {  	v61 =	vld [tilespmem:s23+$0xFFFFFF90]  }
0x10d: {  	v9 =	vmul.f32 v58, v57  }
0x10e: {  	v63 =	vld [tilespmem:s24+$0xFFFFFFA0]  }
0x10f: {  	(xrf2) =	vadd.scan.msk.f32 $0xffff, v9;
	v62 =	vld.idx.msk [tilespmem:v59+s14+$0x0], $0xffff  }
0x110: {  	v16 =	vld [tilespmem:s23+$0xFFFFFFA0]  }
0x111: {  	v12 =	vmul.f32 v61, v60;
	_ =	sdelay $0x1  }
0x112: {  	v17 =	vld [tilespmem:s24+$0xFFFFFFB0];
	(xrf2) =	vadd.scan.msk.f32 $0xffff, v12  }
0x113: {  	v18 =	vld [tilespmem:s23+$0xFFFFFFB0];
	vm13 =	vle.f32 v62, v7  }
0x114: {  	v11 =	vmul.f32 v16, v63;
	v10 =	vsel vm13, $0x1, v5  }
0x115: {  	v9 =	vadd.s32 v10, v8  }
0x116: {  	(xrf2) =	vadd.scan.msk.f32 $0xffff, v11;
	v8 =	vmax.u32 v9, $0x1  }
0x117: {  	v8 =	vsub.s32 v8, v6  }
0x118: {  	v12 =	vmul.f32 v18, v17;
	v19, _, _ =	vpop (xrf2);
	v10 =	vmin.u32 v9, $0x3F;
	v8 =	vadd.s32 s28, v8  }
0x119: {  	v11 =	vadd.f32 $0.0e+00, v19;
	v20 =	vor.u32 s28, v10  }
0x11a: {  	(xrf2) =	vadd.scan.msk.f32 $0xffff, v12  }
0x11b: {  	v21 =	vperm.xlane v11, v0  }
0x11c: {  	v22, _, _ =	vpop (xrf2)  }
0x11d: {  	v12 =	vadd.f32 v21, v22;
	v8 =	vld.idx.msk [tilespmem:v8+s14+$0x0], $0xffff  }
0x11e: {  	v13 =	vld.idx.msk [tilespmem:v20+s14+$0x0], $0xffff  }
0x11f: {  	v14 =	vperm.xlane v12, v0  }
0x120: {  	v15, _, _ =	vpop (xrf2)  }
0x121: {  	vm14 =	veq.s32 v9, $0x0;
	v14 =	vadd.f32 v14, v15  }
0x122: {  	v8 =	vsel vm14, $0x0, v8  }
0x123: {  	v15 =	vperm.xlane v14, v0;
	v13 =	vsub.f32 v13, v8  }
0x124: {  	v11 =	vsub.f32 $0.0e+00, v11;
	v16, _, _ =	vpop (xrf2)  }
0x125: {  	v12 =	vsub.f32 $0.0e+00, v12;
	v15 =	vadd.f32 v15, v16;
	vm15 =	vlt.f32 v13, $9.999999740e-06  }
0x126: {  	v11 =	vmul.f32 $1.442695020e+00, v11;
	v14 =	vsub.f32 $0.0e+00, v14;
	v13 =	vsel vm15, $0x3F800000, v13  }
0x127: {  	v12 =	vmul.f32 $1.442695020e+00, v12;
	v23 =	vsub.f32 $0.0e+00, v15;
	(erf) = vrcp.f32 v13  }
0x128: {  	v24 =	vmul.f32 $1.442695020e+00, v14;
	(erf) = vpow2.f32 v11  }
0x129: {  	v25 =	vmul.f32 $1.442695020e+00, v23;
	(erf) = vpow2.f32 v12  }
0x12a: {  	(erf) = vpow2.f32 v24  }
0x12b: {  	(erf) = vpow2.f32 v25;
	_ =	sdelay $0x4  }
0x12c: {  	v11 =	vpop (erf)  }
0x12d: {  	v26 =	vpop (erf)  }
0x12e: {  	v27 =	vpop (erf)  }
0x12f: {  	v28 =	vpop (erf)  }
0x130: {  	v29 =	vpop (erf)  }
0x131: {  	v30 =	vperm.xlane v29, v0;
	_ =	sdelay $0x1  }
0x132: {  	v16 =	vsub.f32 $1.000000000e+00, v30;
	_ =	sdelay $0x1  }
0x133: {  	v17 =	vsub.f32 $9.999999740e-06, v16;
	_ =	sdelay $0x1  }
0x134: {  	v17 =	vmax.f32 v17, $0.0e+00  }
0x135: {  	v16 =	vadd.f32 v17, v16;
	_ =	sdelay $0x1  }
0x136: {  	(erf) = vrcp.f32 v16;
	_ =	sdelay $0x3  }
0x137: {  	v31 =	vmul.f32 $1.562500000e-02, v17;
	_ =	sdelay $0x1  }
0x138: {  	v12 =	vsub.f32 $1.000000000e+00, v26;
	v17 =	vmul.f32 v1, v31  }
0x139: {  	v13 =	vsub.f32 $1.000000000e+00, v27;
	v18 =	vmul.f32 v2, v31  }
0x13a: {  	v14 =	vsub.f32 $1.000000000e+00, v28;
	v32 =	vmul.f32 v3, v31;
	v12 =	vadd.f32 v17, v12  }
0x13b: {  	v15 =	vsub.f32 $1.000000000e+00, v29;
	v16 =	vmul.f32 v4, v31;
	v13 =	vadd.f32 v18, v13;
	v19 =	vpop (erf)  }
0x13c: {  	v14 =	vadd.f32 v32, v14;
	v12 =	vmul.f32 v12, v19  }
0x13d: {  	v15 =	vadd.f32 v16, v15;
	v13 =	vmul.f32 v13, v19  }
0x13e: {  	s29 =	sadd.s32 $0xFFFFFF79, s20;
	v14 =	vmul.f32 v14, v19;
	v12 =	vmin.f32 v12, $1.000000000e+00  }
0x13f: {  	s0 =	sor.u32 $0x50, s29;
	v15 =	vmul.f32 v15, v19;
	v13 =	vmin.f32 v13, $1.000000000e+00;
	[tilespmem:s25+$0xFFFFFFC0] =	vst v12  }
0x140: {  	s30 =	sor.u32 $0x60, s29;
	v33 =	vmin.f32 v14, $1.000000000e+00;
	[tilespmem:s0+$0x10000] =	vst v13  }
0x141: {  	s31 =	sor.u32 $0x70, s29;
	v34 =	vmin.f32 v15, $1.000000000e+00;
	[tilespmem:s30+$0x10000] =	vst v33  }
0x142: {  	[tilespmem:s31+$0x10000] =	vst v34  }
0x143: {  	v35 =	vld [tilespmem:s22+$0xFFFFFF80];
	_ =	sdelay $0x2  }
0x144: {  	v36 =	vperm.xlane v12, v0;
	v37 =	vperm.xlane v13, v0  }
0x145: {  	v38 =	vperm.xlane v33, v0  }
0x146: {  	vm4 =	vle.f32 v36, v35;
	vm5 =	vle.f32 v37, v35  }
0x147: {  	vm6 =	vle.f32 v38, v35;
	v39 =	vsel vm4, $0x10, v5;
	v40 =	vsel vm5, $0x10, v5  }
0x148: {  	v41 =	vsel vm6, $0x10, v5;
	v12 =	vadd.s32 v40, v39  }
0x149: {  	s30 =	sadd.s32 $0xFFFFFF80, s20;
	v12 =	vadd.s32 v41, v12  }
0x14a: {  	v16 =	vadd.s32 s30, v12;
	_ =	sdelay $0x4  }
0x14b: {  	v16 =	vld.idx.msk [tilespmem:v16+s14+$0x0], $0xffff;
	_ =	sdelay $0x4  }
0x14c: {  	v42 =	vor.u32 $0x8, v12;
	vm7 =	vle.f32 v16, v35  }
0x14d: {  	s0 =	sadd.s32 $0xFFFFFF7C, s20;
	v12 =	vsel vm7, v42, v12  }
0x14e: {  	v16 =	vadd.s32 s0, v12;
	_ =	sdelay $0x4  }
0x14f: {  	v16 =	vld.idx.msk [tilespmem:v16+s14+$0x0], $0xffff;
	_ =	sdelay $0x4  }
0x150: {  	v43 =	vor.u32 $0x4, v12;
	vm8 =	vle.f32 v16, v35  }
0x151: {  	s6 =	sadd.s32 $0xFFFFFF7A, s20;
	v12 =	vsel vm8, v43, v12  }
0x152: {  	v16 =	vadd.s32 s6, v12;
	_ =	sdelay $0x4  }
0x153: {  	v16 =	vld.idx.msk [tilespmem:v16+s14+$0x0], $0xffff;
	_ =	sdelay $0x4  }
0x154: {  	v44 =	vadd.s32 $0x2, v12;
	vm9 =	vle.f32 v16, v35  }
0x155: {  	v12 =	vsel vm9, v44, v12  }
0x156: {  	v16 =	vadd.s32 s29, v12;
	_ =	sdelay $0x4  }
0x157: {  	v16 =	vld.idx.msk [tilespmem:v16+s14+$0x0], $0xffff;
	_ =	sdelay $0x4  }
0x158: {  	vm10 =	vle.f32 v16, v35  }
0x159: {  	v16 =	vsel vm10, $0x1, v5  }
0x15a: {  	v12 =	vadd.s32 v16, v12  }
0x15b: {  	v16 =	vadd.s32 s29, v12;
	_ =	sdelay $0x4  }
0x15c: {  	v16 =	vld.idx.msk [tilespmem:v16+s14+$0x0], $0xffff;
	_ =	sdelay $0x4  }
0x15d: {  	vm11 =	vle.f32 v16, v35  }
0x15e: {  	v16 =	vsel vm11, $0x1, v5  }
0x15f: {  	v12 =	vadd.s32 v16, v12  }
0x160: {  	v16 =	vmax.u32 v12, $0x1  }
0x161: {  	v16 =	vsub.s32 v16, v6  }
0x162: {  	v45 =	vmin.u32 v12, $0x3F;
	v16 =	vadd.s32 s29, v16  }
0x163: {  	v46 =	vor.u32 s29, v45;
	_ =	sdelay $0x3  }
0x164: {  	v16 =	vld.idx.msk [tilespmem:v16+s14+$0x0], $0xffff  }
0x165: {  	v19 =	vld.idx.msk [tilespmem:v46+s14+$0x0], $0xffff;
	_ =	sdelay $0x2  }
0x166: {  	vm12 =	veq.s32 v12, $0x0  }
0x167: {  	v16 =	vsel vm12, $0x0, v16  }
0x168: {  	v19 =	vsub.f32 v19, v16;
	_ =	sdelay $0x1  }
0x169: {  	s28 =	sadd.s32 $0x80, s26;
	vm13 =	vlt.f32 v19, $9.999999740e-06  }
0x16a: {  	v12 =	vor.u32 s28, v12;
	v18 =	vor.u32 s28, v45;
	v19 =	vsel vm13, $0x3F800000, v19  }
0x16b: {  	v18 =	vadd.s32 $0x1, v18;
	(erf) = vrcp.f32 v19;
	_ =	sdelay $0x3  }
0x16c: {  	v12 =	vld.idx.msk [tilespmem:v12+s12+$0x0], $0xffff  }
0x16d: {  	v18 =	vld.idx.msk [tilespmem:v18+s12+$0x0], $0xffff;
	_ =	sdelay $0x2  }
0x16e: {  	v16 =	vsub.f32 v35, v16  }
0x16f: {  	v47 =	vpop (erf)  }
0x170: {  	v48 =	vsub.f32 v18, v12;
	v16 =	vmul.f32 v47, v16;
	_ =	sdelay $0x1  }
0x171: {  	v16 =	vmul.f32 v16, v48;
	_ =	sdelay $0x1  }
0x172: {  	v12 =	vadd.f32 v16, v12;
	_ =	sdelay $0x1  }
0x173: {  	[tilespmem:s21+$0xFFFFFF80] =	vst v12  }
0x174: {  	v12 =	vld [tilespmem:s22+$0xFFFFFF90];
	_ =	sdelay $0x4  }
0x175: {  	vm14 =	vle.f32 v36, v12;
	vm15 =	vle.f32 v37, v12  }
0x176: {  	vm4 =	vle.f32 v38, v12;
	v49 =	vsel vm14, $0x10, v5;
	v50 =	vsel vm15, $0x10, v5  }
0x177: {  	v51 =	vsel vm4, $0x10, v5;
	v16 =	vadd.s32 v50, v49  }
0x178: {  	v16 =	vadd.s32 v51, v16  }
0x179: {  	v17 =	vadd.s32 s30, v16;
	_ =	sdelay $0x4  }
0x17a: {  	v17 =	vld.idx.msk [tilespmem:v17+s14+$0x0], $0xffff;
	_ =	sdelay $0x4  }
0x17b: {  	v52 =	vor.u32 $0x8, v16;
	vm5 =	vle.f32 v17, v12  }
0x17c: {  	v16 =	vsel vm5, v52, v16  }
0x17d: {  	v17 =	vadd.s32 s0, v16;
	_ =	sdelay $0x4  }
0x17e: {  	v17 =	vld.idx.msk [tilespmem:v17+s14+$0x0], $0xffff;
	_ =	sdelay $0x4  }
0x17f: {  	v53 =	vor.u32 $0x4, v16;
	vm6 =	vle.f32 v17, v12  }
0x180: {  	v16 =	vsel vm6, v53, v16  }
0x181: {  	v17 =	vadd.s32 s6, v16;
	_ =	sdelay $0x4  }
0x182: {  	v17 =	vld.idx.msk [tilespmem:v17+s14+$0x0], $0xffff;
	_ =	sdelay $0x4  }
0x183: {  	v54 =	vadd.s32 $0x2, v16;
	vm7 =	vle.f32 v17, v12  }
0x184: {  	v16 =	vsel vm7, v54, v16  }
0x185: {  	v17 =	vadd.s32 s29, v16;
	_ =	sdelay $0x4  }
0x186: {  	v17 =	vld.idx.msk [tilespmem:v17+s14+$0x0], $0xffff;
	_ =	sdelay $0x4  }
0x187: {  	vm8 =	vle.f32 v17, v12  }
0x188: {  	v17 =	vsel vm8, $0x1, v5  }
0x189: {  	v16 =	vadd.s32 v17, v16  }
0x18a: {  	v17 =	vadd.s32 s29, v16;
	_ =	sdelay $0x4  }
0x18b: {  	v17 =	vld.idx.msk [tilespmem:v17+s14+$0x0], $0xffff;
	_ =	sdelay $0x4  }
0x18c: {  	vm9 =	vle.f32 v17, v12  }
0x18d: {  	v17 =	vsel vm9, $0x1, v5  }
0x18e: {  	v16 =	vadd.s32 v17, v16  }
0x18f: {  	v17 =	vmax.u32 v16, $0x1  }
0x190: {  	v17 =	vsub.s32 v17, v6  }
0x191: {  	v55 =	vmin.u32 v16, $0x3F;
	v17 =	vadd.s32 s29, v17  }
0x192: {  	v56 =	vor.u32 s29, v55;
	_ =	sdelay $0x3  }
0x193: {  	v17 =	vld.idx.msk [tilespmem:v17+s14+$0x0], $0xffff  }
0x194: {  	v19 =	vld.idx.msk [tilespmem:v56+s14+$0x0], $0xffff;
	_ =	sdelay $0x2  }
0x195: {  	vm10 =	veq.s32 v16, $0x0  }
0x196: {  	v17 =	vsel vm10, $0x0, v17  }
0x197: {  	v19 =	vsub.f32 v19, v17;
	_ =	sdelay $0x1  }
0x198: {  	vm11 =	vlt.f32 v19, $9.999999740e-06  }
0x199: {  	v16 =	vor.u32 s28, v16;
	v18 =	vor.u32 s28, v55;
	v19 =	vsel vm11, $0x3F800000, v19  }
0x19a: {  	v18 =	vadd.s32 $0x1, v18;
	(erf) = vrcp.f32 v19;
	_ =	sdelay $0x3  }
0x19b: {  	v16 =	vld.idx.msk [tilespmem:v16+s12+$0x0], $0xffff  }
0x19c: {  	v18 =	vld.idx.msk [tilespmem:v18+s12+$0x0], $0xffff;
	_ =	sdelay $0x2  }
0x19d: {  	v12 =	vsub.f32 v12, v17  }
0x19e: {  	v57 =	vpop (erf)  }
0x19f: {  	v58 =	vsub.f32 v18, v16;
	v12 =	vmul.f32 v57, v12;
	_ =	sdelay $0x1  }
0x1a0: {  	v12 =	vmul.f32 v12, v58;
	_ =	sdelay $0x1  }
0x1a1: {  	v12 =	vadd.f32 v12, v16;
	_ =	sdelay $0x1  }
0x1a2: {  	[tilespmem:s21+$0xFFFFFF90] =	vst v12  }
0x1a3: {  	v12 =	vld [tilespmem:s22+$0xFFFFFFA0];
	_ =	sdelay $0x4  }
0x1a4: {  	vm12 =	vle.f32 v36, v12;
	vm13 =	vle.f32 v37, v12  }
0x1a5: {  	vm14 =	vle.f32 v38, v12;
	v59 =	vsel vm12, $0x10, v5;
	v60 =	vsel vm13, $0x10, v5  }
0x1a6: {  	v61 =	vsel vm14, $0x10, v5;
	v16 =	vadd.s32 v60, v59  }
0x1a7: {  	v16 =	vadd.s32 v61, v16  }
0x1a8: {  	v17 =	vadd.s32 s30, v16;
	_ =	sdelay $0x4  }
0x1a9: {  	v17 =	vld.idx.msk [tilespmem:v17+s14+$0x0], $0xffff;
	_ =	sdelay $0x4  }
0x1aa: {  	v62 =	vor.u32 $0x8, v16;
	vm15 =	vle.f32 v17, v12  }
0x1ab: {  	v16 =	vsel vm15, v62, v16  }
0x1ac: {  	v17 =	vadd.s32 s0, v16;
	_ =	sdelay $0x4  }
0x1ad: {  	v17 =	vld.idx.msk [tilespmem:v17+s14+$0x0], $0xffff;
	_ =	sdelay $0x4  }
0x1ae: {  	v63 =	vor.u32 $0x4, v16;
	vm4 =	vle.f32 v17, v12  }
0x1af: {  	v16 =	vsel vm4, v63, v16  }
0x1b0: {  	v17 =	vadd.s32 s6, v16;
	_ =	sdelay $0x4  }
0x1b1: {  	v17 =	vld.idx.msk [tilespmem:v17+s14+$0x0], $0xffff;
	_ =	sdelay $0x4  }
0x1b2: {  	v20 =	vadd.s32 $0x2, v16;
	vm5 =	vle.f32 v17, v12  }
0x1b3: {  	v16 =	vsel vm5, v20, v16  }
0x1b4: {  	v17 =	vadd.s32 s29, v16;
	_ =	sdelay $0x4  }
0x1b5: {  	v17 =	vld.idx.msk [tilespmem:v17+s14+$0x0], $0xffff;
	_ =	sdelay $0x4  }
0x1b6: {  	vm6 =	vle.f32 v17, v12  }
0x1b7: {  	v17 =	vsel vm6, $0x1, v5  }
0x1b8: {  	v16 =	vadd.s32 v17, v16  }
0x1b9: {  	v17 =	vadd.s32 s29, v16;
	_ =	sdelay $0x4  }
0x1ba: {  	v17 =	vld.idx.msk [tilespmem:v17+s14+$0x0], $0xffff;
	_ =	sdelay $0x4  }
0x1bb: {  	vm7 =	vle.f32 v17, v12  }
0x1bc: {  	v17 =	vsel vm7, $0x1, v5  }
0x1bd: {  	v16 =	vadd.s32 v17, v16  }
0x1be: {  	v17 =	vmax.u32 v16, $0x1  }
0x1bf: {  	v17 =	vsub.s32 v17, v6  }
0x1c0: {  	v21 =	vmin.u32 v16, $0x3F;
	v17 =	vadd.s32 s29, v17  }
0x1c1: {  	v22 =	vor.u32 s29, v21;
	_ =	sdelay $0x3  }
0x1c2: {  	v17 =	vld.idx.msk [tilespmem:v17+s14+$0x0], $0xffff  }
0x1c3: {  	v19 =	vld.idx.msk [tilespmem:v22+s14+$0x0], $0xffff;
	_ =	sdelay $0x2  }
0x1c4: {  	vm8 =	veq.s32 v16, $0x0  }
0x1c5: {  	v17 =	vsel vm8, $0x0, v17  }
0x1c6: {  	v19 =	vsub.f32 v19, v17;
	_ =	sdelay $0x1  }
0x1c7: {  	vm9 =	vlt.f32 v19, $9.999999740e-06  }
0x1c8: {  	v16 =	vor.u32 s28, v16;
	v18 =	vor.u32 s28, v21;
	v19 =	vsel vm9, $0x3F800000, v19  }
0x1c9: {  	v18 =	vadd.s32 $0x1, v18;
	(erf) = vrcp.f32 v19;
	_ =	sdelay $0x3  }
0x1ca: {  	v16 =	vld.idx.msk [tilespmem:v16+s12+$0x0], $0xffff  }
0x1cb: {  	v18 =	vld.idx.msk [tilespmem:v18+s12+$0x0], $0xffff;
	_ =	sdelay $0x2  }
0x1cc: {  	v12 =	vsub.f32 v12, v17  }
0x1cd: {  	v23 =	vpop (erf)  }
0x1ce: {  	v24 =	vsub.f32 v18, v16;
	v12 =	vmul.f32 v23, v12;
	_ =	sdelay $0x1  }
0x1cf: {  	v12 =	vmul.f32 v12, v24;
	_ =	sdelay $0x1  }
0x1d0: {  	v12 =	vadd.f32 v12, v16;
	_ =	sdelay $0x1  }
0x1d1: {  	[tilespmem:s21+$0xFFFFFFA0] =	vst v12  }
0x1d2: {  	v12 =	vld [tilespmem:s22+$0xFFFFFFB0];
	_ =	sdelay $0x4  }
0x1d3: {  	vm10 =	vle.f32 v36, v12;
	vm11 =	vle.f32 v37, v12  }
0x1d4: {  	vm12 =	vle.f32 v38, v12;
	v14 =	vsel vm10, $0x10, v5;
	v15 =	vsel vm11, $0x10, v5  }
0x1d5: {  	v26 =	vsel vm12, $0x10, v5;
	v25 =	vadd.s32 v15, v14  }
0x1d6: {  	v13 =	vadd.s32 v26, v25  }
0x1d7: {  	v14 =	vadd.s32 s30, v13;
	_ =	sdelay $0x4  }
0x1d8: {  	v14 =	vld.idx.msk [tilespmem:v14+s14+$0x0], $0xffff;
	_ =	sdelay $0x4  }
0x1d9: {  	v27 =	vor.u32 $0x8, v13;
	vm13 =	vle.f32 v14, v12  }
0x1da: {  	v13 =	vsel vm13, v27, v13  }
0x1db: {  	v14 =	vadd.s32 s0, v13;
	_ =	sdelay $0x4  }
0x1dc: {  	v14 =	vld.idx.msk [tilespmem:v14+s14+$0x0], $0xffff;
	_ =	sdelay $0x4  }
0x1dd: {  	v28 =	vor.u32 $0x4, v13;
	vm14 =	vle.f32 v14, v12  }
0x1de: {  	v13 =	vsel vm14, v28, v13  }
0x1df: {  	v14 =	vadd.s32 s6, v13;
	_ =	sdelay $0x4  }
0x1e0: {  	v14 =	vld.idx.msk [tilespmem:v14+s14+$0x0], $0xffff;
	_ =	sdelay $0x4  }
0x1e1: {  	v29 =	vadd.s32 $0x2, v13;
	vm15 =	vle.f32 v14, v12  }
0x1e2: {  	v13 =	vsel vm15, v29, v13  }
0x1e3: {  	v14 =	vadd.s32 s29, v13;
	_ =	sdelay $0x4  }
0x1e4: {  	v14 =	vld.idx.msk [tilespmem:v14+s14+$0x0], $0xffff;
	_ =	sdelay $0x4  }
0x1e5: {  	v30 =	vld [tilespmem:s24+$0x0];
	vm4 =	vle.f32 v14, v12  }
0x1e6: {  	v31 =	vld [tilespmem:s23+$0x0];
	v14 =	vsel vm4, $0x1, v5  }
0x1e7: {  	v13 =	vadd.s32 v14, v13  }
0x1e8: {  	v32 =	vadd.s32 s29, v13  }
0x1e9: {  	v33 =	vld [tilespmem:s24+$0x10]  }
0x1ea: {  	v34 =	vld [tilespmem:s23+$0x10]  }
0x1eb: {  	v14 =	vmul.f32 v31, v30  }
0x1ec: {  	v36 =	vld [tilespmem:s24+$0x20]  }
0x1ed: {  	(xrf2) =	vadd.scan.msk.f32 $0xffff, v14;
	v35 =	vld.idx.msk [tilespmem:v32+s14+$0x0], $0xffff  }
0x1ee: {  	v37 =	vld [tilespmem:s23+$0x20]  }
0x1ef: {  	v17 =	vmul.f32 v34, v33;
	_ =	sdelay $0x1  }
0x1f0: {  	v39 =	vld [tilespmem:s23+$0x30];
	(xrf2) =	vadd.scan.msk.f32 $0xffff, v17  }
0x1f1: {  	v38 =	vld [tilespmem:s24+$0x30];
	vm5 =	vle.f32 v35, v12  }
0x1f2: {  	v16 =	vmul.f32 v37, v36;
	v15 =	vsel vm5, $0x1, v5  }
0x1f3: {  	v14 =	vadd.s32 v15, v13  }
0x1f4: {  	(xrf2) =	vadd.scan.msk.f32 $0xffff, v16;
	v13 =	vmax.u32 v14, $0x1  }
0x1f5: {  	v13 =	vsub.s32 v13, v6  }
0x1f6: {  	v17 =	vmul.f32 v39, v38;
	v40, _, _ =	vpop (xrf2);
	v15 =	vmin.u32 v14, $0x3F;
	v13 =	vadd.s32 s29, v13  }
0x1f7: {  	v16 =	vadd.f32 $0.0e+00, v40;
	v41 =	vor.u32 s29, v15  }
0x1f8: {  	(xrf2) =	vadd.scan.msk.f32 $0xffff, v17  }
0x1f9: {  	v42 =	vperm.xlane v16, v0  }
0x1fa: {  	v43, _, _ =	vpop (xrf2)  }
0x1fb: {  	v17 =	vadd.f32 v42, v43;
	v13 =	vld.idx.msk [tilespmem:v13+s14+$0x0], $0xffff  }
0x1fc: {  	v18 =	vld.idx.msk [tilespmem:v41+s14+$0x0], $0xffff  }
0x1fd: {  	v19 =	vperm.xlane v17, v0  }
0x1fe: {  	v20, _, _ =	vpop (xrf2)  }
0x1ff: {  	vm6 =	veq.s32 v14, $0x0;
	v19 =	vadd.f32 v19, v20  }
0x200: {  	v13 =	vsel vm6, $0x0, v13  }
0x201: {  	v20 =	vperm.xlane v19, v0;
	v18 =	vsub.f32 v18, v13  }
0x202: {  	v16 =	vsub.f32 $0.0e+00, v16;
	v21, _, _ =	vpop (xrf2)  }
0x203: {  	v17 =	vsub.f32 $0.0e+00, v17;
	v20 =	vadd.f32 v20, v21;
	vm7 =	vlt.f32 v18, $9.999999740e-06  }
0x204: {  	v16 =	vmul.f32 $1.442695020e+00, v16;
	v19 =	vsub.f32 $0.0e+00, v19;
	v18 =	vsel vm7, $0x3F800000, v18  }
0x205: {  	v17 =	vmul.f32 $1.442695020e+00, v17;
	v44 =	vsub.f32 $0.0e+00, v20;
	(erf) = vrcp.f32 v18  }
0x206: {  	v45 =	vmul.f32 $1.442695020e+00, v19;
	(erf) = vpow2.f32 v16  }
0x207: {  	v46 =	vmul.f32 $1.442695020e+00, v44;
	(erf) = vpow2.f32 v17  }
0x208: {  	(erf) = vpow2.f32 v45  }
0x209: {  	(erf) = vpow2.f32 v46;
	_ =	sdelay $0x4  }
0x20a: {  	v16 =	vpop (erf)  }
0x20b: {  	v47 =	vpop (erf)  }
0x20c: {  	v48 =	vpop (erf)  }
0x20d: {  	v49 =	vpop (erf)  }
0x20e: {  	v50 =	vpop (erf)  }
0x20f: {  	v51 =	vperm.xlane v50, v0;
	_ =	sdelay $0x1  }
0x210: {  	v21 =	vsub.f32 $1.000000000e+00, v51;
	_ =	sdelay $0x1  }
0x211: {  	v22 =	vsub.f32 $9.999999740e-06, v21;
	_ =	sdelay $0x1  }
0x212: {  	v22 =	vmax.f32 v22, $0.0e+00  }
0x213: {  	v21 =	vadd.f32 v22, v21;
	_ =	sdelay $0x1  }
0x214: {  	(erf) = vrcp.f32 v21;
	_ =	sdelay $0x3  }
0x215: {  	v52 =	vmul.f32 $1.562500000e-02, v22;
	_ =	sdelay $0x1  }
0x216: {  	v17 =	vsub.f32 $1.000000000e+00, v47;
	v22 =	vmul.f32 v1, v52  }
0x217: {  	v18 =	vsub.f32 $1.000000000e+00, v48;
	v23 =	vmul.f32 v2, v52  }
0x218: {  	v19 =	vsub.f32 $1.000000000e+00, v49;
	v53 =	vmul.f32 v3, v52;
	v17 =	vadd.f32 v22, v17  }
0x219: {  	v20 =	vsub.f32 $1.000000000e+00, v50;
	v21 =	vmul.f32 v4, v52;
	v18 =	vadd.f32 v23, v18;
	v24 =	vpop (erf)  }
0x21a: {  	v19 =	vadd.f32 v53, v19;
	v17 =	vmul.f32 v17, v24  }
0x21b: {  	v20 =	vadd.f32 v21, v20;
	v18 =	vmul.f32 v18, v24  }
0x21c: {  	v19 =	vmul.f32 v19, v24;
	v17 =	vmin.f32 v17, $1.000000000e+00  }
0x21d: {  	v20 =	vmul.f32 v20, v24;
	v18 =	vmin.f32 v18, $1.000000000e+00;
	[tilespmem:s25+$0x0] =	vst v17  }
0x21e: {  	v54 =	vmin.f32 v19, $1.000000000e+00;
	[tilespmem:s25+$0x10] =	vst v18  }
0x21f: {  	v55 =	vmin.f32 v20, $1.000000000e+00;
	[tilespmem:s25+$0x20] =	vst v54  }
0x220: {  	[tilespmem:s25+$0x30] =	vst v55  }
0x221: {  	v56 =	vld [tilespmem:s22+$0x0];
	_ =	sdelay $0x1  }
0x222: {  	s30 =	sadd.s32 $0xFFFFFFB9, s20  }
0x223: {  	v60 =	vmov s30;
	v57 =	vperm.xlane v17, v0;
	v58 =	vperm.xlane v18, v0  }
0x224: {  	v59 =	vperm.xlane v54, v0;
	v17 =	vand.u32 $0x1F80, v60  }
0x225: {  	v17 =	vor.u32 $0x7, v17;
	vm8 =	vle.f32 v57, v56;
	vm9 =	vle.f32 v58, v56  }
0x226: {  	vm10 =	vle.f32 v59, v56;
	v61 =	vsel vm8, $0x10, v5;
	v62 =	vsel vm9, $0x10, v5  }
0x227: {  	v28 =	vbroadcast v17, $0x0;
	v63 =	vsel vm10, $0x10, v5;
	v23 =	vadd.s32 v62, v61  }
0x228: {  	v29 =	vadd.s32 v63, v23  }
0x229: {  	v23 =	vor.u32 v29, v28;
	_ =	sdelay $0x4  }
0x22a: {  	v23 =	vld.idx.msk [tilespmem:v23+s14+$0x0], $0xffff;
	_ =	sdelay $0x4  }
0x22b: {  	v30 =	vor.u32 $0x8, v29;
	vm11 =	vle.f32 v23, v56  }
0x22c: {  	s0 =	sadd.s32 $0xFFFFFFBC, s20;
	v17 =	vsel vm11, v30, v29  }
0x22d: {  	v23 =	vor.u32 s0, v17;
	_ =	sdelay $0x4  }
0x22e: {  	v23 =	vld.idx.msk [tilespmem:v23+s14+$0x0], $0xffff;
	_ =	sdelay $0x4  }
0x22f: {  	v31 =	vor.u32 $0x4, v17;
	vm12 =	vle.f32 v23, v56  }
0x230: {  	s6 =	sadd.s32 $0xFFFFFFBA, s20;
	v17 =	vsel vm12, v31, v17  }
0x231: {  	v23 =	vadd.s32 s6, v17;
	_ =	sdelay $0x4  }
0x232: {  	v23 =	vld.idx.msk [tilespmem:v23+s14+$0x0], $0xffff;
	_ =	sdelay $0x4  }
0x233: {  	v32 =	vadd.s32 $0x2, v17;
	vm13 =	vle.f32 v23, v56  }
0x234: {  	v17 =	vsel vm13, v32, v17  }
0x235: {  	v23 =	vadd.s32 s30, v17;
	_ =	sdelay $0x4  }
0x236: {  	v23 =	vld.idx.msk [tilespmem:v23+s14+$0x0], $0xffff;
	_ =	sdelay $0x4  }
0x237: {  	vm14 =	vle.f32 v23, v56  }
0x238: {  	v23 =	vsel vm14, $0x1, v5  }
0x239: {  	v17 =	vadd.s32 v23, v17  }
0x23a: {  	v23 =	vadd.s32 s30, v17;
	_ =	sdelay $0x4  }
0x23b: {  	v23 =	vld.idx.msk [tilespmem:v23+s14+$0x0], $0xffff;
	_ =	sdelay $0x4  }
0x23c: {  	vm15 =	vle.f32 v23, v56  }
0x23d: {  	v23 =	vsel vm15, $0x1, v5  }
0x23e: {  	v17 =	vadd.s32 v23, v17  }
0x23f: {  	v23 =	vmax.u32 v17, $0x1  }
0x240: {  	v23 =	vsub.s32 v23, v6  }
0x241: {  	v33 =	vmin.u32 v17, $0x3F;
	v23 =	vadd.s32 s30, v23  }
0x242: {  	v25 =	vor.u32 s30, v33;
	_ =	sdelay $0x3  }
0x243: {  	v23 =	vld.idx.msk [tilespmem:v23+s14+$0x0], $0xffff  }
0x244: {  	v25 =	vld.idx.msk [tilespmem:v25+s14+$0x0], $0xffff;
	_ =	sdelay $0x2  }
0x245: {  	vm4 =	veq.s32 v17, $0x0  }
0x246: {  	v23 =	vsel vm4, $0x0, v23  }
0x247: {  	v25 =	vsub.f32 v25, v23;
	_ =	sdelay $0x1  }
0x248: {  	s29 =	sadd.s32 $0x100, s26;
	vm5 =	vlt.f32 v25, $9.999999740e-06  }
0x249: {  	v17 =	vor.u32 s29, v17;
	v24 =	vor.u32 s29, v33;
	v25 =	vsel vm5, $0x3F800000, v25  }
0x24a: {  	v24 =	vadd.s32 $0x1, v24;
	(erf) = vrcp.f32 v25;
	_ =	sdelay $0x3  }
0x24b: {  	v17 =	vld.idx.msk [tilespmem:v17+s12+$0x0], $0xffff  }
0x24c: {  	v24 =	vld.idx.msk [tilespmem:v24+s12+$0x0], $0xffff;
	_ =	sdelay $0x2  }
0x24d: {  	v22 =	vsub.f32 v56, v23  }
0x24e: {  	v34 =	vpop (erf)  }
0x24f: {  	v35 =	vsub.f32 v24, v17;
	v22 =	vmul.f32 v34, v22;
	_ =	sdelay $0x1  }
0x250: {  	v22 =	vmul.f32 v22, v35;
	_ =	sdelay $0x1  }
0x251: {  	v17 =	vadd.f32 v22, v17;
	_ =	sdelay $0x1  }
0x252: {  	[tilespmem:s21+$0x0] =	vst v17  }
0x253: {  	v17 =	vld [tilespmem:s22+$0x10];
	_ =	sdelay $0x4  }
0x254: {  	vm6 =	vle.f32 v57, v17;
	vm7 =	vle.f32 v58, v17  }
0x255: {  	vm8 =	vle.f32 v59, v17;
	v36 =	vsel vm6, $0x10, v5;
	v37 =	vsel vm7, $0x10, v5  }
0x256: {  	v38 =	vsel vm8, $0x10, v5;
	v22 =	vadd.s32 v37, v36  }
0x257: {  	v22 =	vadd.s32 v38, v22  }
0x258: {  	v23 =	vor.u32 v22, v28;
	_ =	sdelay $0x4  }
0x259: {  	v23 =	vld.idx.msk [tilespmem:v23+s14+$0x0], $0xffff;
	_ =	sdelay $0x4  }
0x25a: {  	v39 =	vor.u32 $0x8, v22;
	vm9 =	vle.f32 v23, v17  }
0x25b: {  	v22 =	vsel vm9, v39, v22  }
0x25c: {  	v23 =	vor.u32 s0, v22;
	_ =	sdelay $0x4  }
0x25d: {  	v23 =	vld.idx.msk [tilespmem:v23+s14+$0x0], $0xffff;
	_ =	sdelay $0x4  }
0x25e: {  	v40 =	vor.u32 $0x4, v22;
	vm10 =	vle.f32 v23, v17  }
0x25f: {  	v22 =	vsel vm10, v40, v22  }
0x260: {  	v23 =	vadd.s32 s6, v22;
	_ =	sdelay $0x4  }
0x261: {  	v23 =	vld.idx.msk [tilespmem:v23+s14+$0x0], $0xffff;
	_ =	sdelay $0x4  }
0x262: {  	v41 =	vadd.s32 $0x2, v22;
	vm11 =	vle.f32 v23, v17  }
0x263: {  	v22 =	vsel vm11, v41, v22  }
0x264: {  	v23 =	vadd.s32 s30, v22;
	_ =	sdelay $0x4  }
0x265: {  	v23 =	vld.idx.msk [tilespmem:v23+s14+$0x0], $0xffff;
	_ =	sdelay $0x4  }
0x266: {  	vm12 =	vle.f32 v23, v17  }
0x267: {  	v23 =	vsel vm12, $0x1, v5  }
0x268: {  	v22 =	vadd.s32 v23, v22  }
0x269: {  	v23 =	vadd.s32 s30, v22;
	_ =	sdelay $0x4  }
0x26a: {  	v23 =	vld.idx.msk [tilespmem:v23+s14+$0x0], $0xffff;
	_ =	sdelay $0x4  }
0x26b: {  	vm13 =	vle.f32 v23, v17  }
0x26c: {  	v23 =	vsel vm13, $0x1, v5  }
0x26d: {  	v22 =	vadd.s32 v23, v22  }
0x26e: {  	v23 =	vmax.u32 v22, $0x1  }
0x26f: {  	v23 =	vsub.s32 v23, v6  }
0x270: {  	v42 =	vmin.u32 v22, $0x3F;
	v23 =	vadd.s32 s30, v23  }
0x271: {  	v43 =	vor.u32 s30, v42;
	_ =	sdelay $0x3  }
0x272: {  	v23 =	vld.idx.msk [tilespmem:v23+s14+$0x0], $0xffff  }
0x273: {  	v25 =	vld.idx.msk [tilespmem:v43+s14+$0x0], $0xffff;
	_ =	sdelay $0x2  }
0x274: {  	vm14 =	veq.s32 v22, $0x0  }
0x275: {  	v23 =	vsel vm14, $0x0, v23  }
0x276: {  	v25 =	vsub.f32 v25, v23;
	_ =	sdelay $0x1  }
0x277: {  	vm15 =	vlt.f32 v25, $9.999999740e-06  }
0x278: {  	v22 =	vor.u32 s29, v22;
	v24 =	vor.u32 s29, v42;
	v25 =	vsel vm15, $0x3F800000, v25  }
0x279: {  	v24 =	vadd.s32 $0x1, v24;
	(erf) = vrcp.f32 v25;
	_ =	sdelay $0x3  }
0x27a: {  	v22 =	vld.idx.msk [tilespmem:v22+s12+$0x0], $0xffff  }
0x27b: {  	v24 =	vld.idx.msk [tilespmem:v24+s12+$0x0], $0xffff;
	_ =	sdelay $0x2  }
0x27c: {  	v17 =	vsub.f32 v17, v23  }
0x27d: {  	v44 =	vpop (erf)  }
0x27e: {  	v45 =	vsub.f32 v24, v22;
	v17 =	vmul.f32 v44, v17;
	_ =	sdelay $0x1  }
0x27f: {  	v17 =	vmul.f32 v17, v45;
	_ =	sdelay $0x1  }
0x280: {  	v17 =	vadd.f32 v17, v22;
	_ =	sdelay $0x1  }
0x281: {  	[tilespmem:s21+$0x10] =	vst v17  }
0x282: {  	v17 =	vld [tilespmem:s22+$0x20];
	_ =	sdelay $0x4  }
0x283: {  	vm4 =	vle.f32 v57, v17;
	vm5 =	vle.f32 v58, v17  }
0x284: {  	vm6 =	vle.f32 v59, v17;
	v46 =	vsel vm4, $0x10, v5;
	v47 =	vsel vm5, $0x10, v5  }
0x285: {  	v48 =	vsel vm6, $0x10, v5;
	v22 =	vadd.s32 v47, v46  }
0x286: {  	v22 =	vadd.s32 v48, v22  }
0x287: {  	v23 =	vor.u32 v22, v28;
	_ =	sdelay $0x4  }
0x288: {  	v23 =	vld.idx.msk [tilespmem:v23+s14+$0x0], $0xffff;
	_ =	sdelay $0x4  }
0x289: {  	v49 =	vor.u32 $0x8, v22;
	vm7 =	vle.f32 v23, v17  }
0x28a: {  	v22 =	vsel vm7, v49, v22  }
0x28b: {  	v23 =	vor.u32 s0, v22;
	_ =	sdelay $0x4  }
0x28c: {  	v23 =	vld.idx.msk [tilespmem:v23+s14+$0x0], $0xffff;
	_ =	sdelay $0x4  }
0x28d: {  	v50 =	vor.u32 $0x4, v22;
	vm8 =	vle.f32 v23, v17  }
0x28e: {  	v22 =	vsel vm8, v50, v22  }
0x28f: {  	v23 =	vadd.s32 s6, v22;
	_ =	sdelay $0x4  }
0x290: {  	v23 =	vld.idx.msk [tilespmem:v23+s14+$0x0], $0xffff;
	_ =	sdelay $0x4  }
0x291: {  	v51 =	vadd.s32 $0x2, v22;
	vm9 =	vle.f32 v23, v17  }
0x292: {  	v22 =	vsel vm9, v51, v22  }
0x293: {  	v23 =	vadd.s32 s30, v22;
	_ =	sdelay $0x4  }
0x294: {  	v23 =	vld.idx.msk [tilespmem:v23+s14+$0x0], $0xffff;
	_ =	sdelay $0x4  }
0x295: {  	vm10 =	vle.f32 v23, v17  }
0x296: {  	v23 =	vsel vm10, $0x1, v5  }
0x297: {  	v22 =	vadd.s32 v23, v22  }
0x298: {  	v23 =	vadd.s32 s30, v22;
	_ =	sdelay $0x4  }
0x299: {  	v23 =	vld.idx.msk [tilespmem:v23+s14+$0x0], $0xffff;
	_ =	sdelay $0x4  }
0x29a: {  	vm11 =	vle.f32 v23, v17  }
0x29b: {  	v23 =	vsel vm11, $0x1, v5  }
0x29c: {  	v22 =	vadd.s32 v23, v22  }
0x29d: {  	v23 =	vmax.u32 v22, $0x1  }
0x29e: {  	v23 =	vsub.s32 v23, v6  }
0x29f: {  	v52 =	vmin.u32 v22, $0x3F;
	v23 =	vadd.s32 s30, v23  }
0x2a0: {  	v53 =	vor.u32 s30, v52;
	_ =	sdelay $0x3  }
0x2a1: {  	v23 =	vld.idx.msk [tilespmem:v23+s14+$0x0], $0xffff  }
0x2a2: {  	v25 =	vld.idx.msk [tilespmem:v53+s14+$0x0], $0xffff;
	_ =	sdelay $0x2  }
0x2a3: {  	vm12 =	veq.s32 v22, $0x0  }
0x2a4: {  	v23 =	vsel vm12, $0x0, v23  }
0x2a5: {  	v25 =	vsub.f32 v25, v23;
	_ =	sdelay $0x1  }
0x2a6: {  	vm13 =	vlt.f32 v25, $9.999999740e-06  }
0x2a7: {  	v22 =	vor.u32 s29, v22;
	v24 =	vor.u32 s29, v52;
	v25 =	vsel vm13, $0x3F800000, v25  }
0x2a8: {  	v24 =	vadd.s32 $0x1, v24;
	(erf) = vrcp.f32 v25;
	_ =	sdelay $0x3  }
0x2a9: {  	v22 =	vld.idx.msk [tilespmem:v22+s12+$0x0], $0xffff  }
0x2aa: {  	v24 =	vld.idx.msk [tilespmem:v24+s12+$0x0], $0xffff;
	_ =	sdelay $0x2  }
0x2ab: {  	v17 =	vsub.f32 v17, v23  }
0x2ac: {  	v54 =	vpop (erf)  }
0x2ad: {  	v55 =	vsub.f32 v24, v22;
	v17 =	vmul.f32 v54, v17;
	_ =	sdelay $0x1  }
0x2ae: {  	v17 =	vmul.f32 v17, v55;
	_ =	sdelay $0x1  }
0x2af: {  	v17 =	vadd.f32 v17, v22;
	_ =	sdelay $0x1  }
0x2b0: {  	[tilespmem:s21+$0x20] =	vst v17  }
0x2b1: {  	v17 =	vld [tilespmem:s22+$0x30];
	_ =	sdelay $0x4  }
0x2b2: {  	vm14 =	vle.f32 v57, v17;
	vm15 =	vle.f32 v58, v17  }
0x2b3: {  	vm4 =	vle.f32 v59, v17;
	v19 =	vsel vm14, $0x10, v5;
	v20 =	vsel vm15, $0x10, v5  }
0x2b4: {  	v57 =	vsel vm4, $0x10, v5;
	v56 =	vadd.s32 v20, v19  }
0x2b5: {  	v18 =	vadd.s32 v57, v56  }
0x2b6: {  	v19 =	vor.u32 v18, v28;
	_ =	sdelay $0x4  }
0x2b7: {  	v19 =	vld.idx.msk [tilespmem:v19+s14+$0x0], $0xffff;
	_ =	sdelay $0x4  }
0x2b8: {  	v58 =	vor.u32 $0x8, v18;
	vm5 =	vle.f32 v19, v17  }
0x2b9: {  	v18 =	vsel vm5, v58, v18  }
0x2ba: {  	v19 =	vor.u32 s0, v18;
	_ =	sdelay $0x4  }
0x2bb: {  	v19 =	vld.idx.msk [tilespmem:v19+s14+$0x0], $0xffff;
	_ =	sdelay $0x4  }
0x2bc: {  	v59 =	vor.u32 $0x4, v18;
	vm6 =	vle.f32 v19, v17  }
0x2bd: {  	v18 =	vsel vm6, v59, v18  }
0x2be: {  	v19 =	vadd.s32 s6, v18;
	_ =	sdelay $0x4  }
0x2bf: {  	v19 =	vld.idx.msk [tilespmem:v19+s14+$0x0], $0xffff;
	_ =	sdelay $0x4  }
0x2c0: {  	v60 =	vadd.s32 $0x2, v18;
	vm7 =	vle.f32 v19, v17  }
0x2c1: {  	v18 =	vsel vm7, v60, v18  }
0x2c2: {  	v19 =	vadd.s32 s30, v18;
	_ =	sdelay $0x4  }
0x2c3: {  	v19 =	vld.idx.msk [tilespmem:v19+s14+$0x0], $0xffff;
	_ =	sdelay $0x4  }
0x2c4: {  	v61 =	vld [tilespmem:s24+$0x80];
	vm8 =	vle.f32 v19, v17  }
0x2c5: {  	v62 =	vld [tilespmem:s23+$0x80];
	v19 =	vsel vm8, $0x1, v5  }
0x2c6: {  	v18 =	vadd.s32 v19, v18  }
0x2c7: {  	v63 =	vadd.s32 s30, v18  }
0x2c8: {  	v24 =	vld [tilespmem:s24+$0x90]  }
0x2c9: {  	v25 =	vld [tilespmem:s23+$0x90]  }
0x2ca: {  	v19 =	vmul.f32 v62, v61  }
0x2cb: {  	v27 =	vld [tilespmem:s24+$0xA0]  }
0x2cc: {  	(xrf2) =	vadd.scan.msk.f32 $0xffff, v19;
	v26 =	vld.idx.msk [tilespmem:v63+s14+$0x0], $0xffff  }
0x2cd: {  	v28 =	vld [tilespmem:s23+$0xA0]  }
0x2ce: {  	v22 =	vmul.f32 v25, v24;
	_ =	sdelay $0x1  }
0x2cf: {  	v29 =	vld [tilespmem:s24+$0xB0];
	(xrf2) =	vadd.scan.msk.f32 $0xffff, v22  }
0x2d0: {  	v30 =	vld [tilespmem:s23+$0xB0];
	vm9 =	vle.f32 v26, v17  }
0x2d1: {  	v19 =	vmul.f32 v28, v27;
	v20 =	vsel vm9, $0x1, v5  }
0x2d2: {  	v18 =	vadd.s32 v20, v18  }
0x2d3: {  	(xrf2) =	vadd.scan.msk.f32 $0xffff, v19;
	v20 =	vmax.u32 v18, $0x1  }
0x2d4: {  	v31 =	vsub.s32 v20, v6  }
0x2d5: {  	v22 =	vmul.f32 v30, v29;
	v32, _, _ =	vpop (xrf2);
	v20 =	vmin.u32 v18, $0x3F;
	v19 =	vadd.s32 s30, v31  }
0x2d6: {  	v21 =	vadd.f32 $0.0e+00, v32;
	v33 =	vor.u32 s30, v20  }
0x2d7: {  	(xrf2) =	vadd.scan.msk.f32 $0xffff, v22  }
0x2d8: {  	v34 =	vperm.xlane v21, v0  }
0x2d9: {  	v35, _, _ =	vpop (xrf2)  }
0x2da: {  	v22 =	vadd.f32 v34, v35;
	v19 =	vld.idx.msk [tilespmem:v19+s14+$0x0], $0xffff  }
0x2db: {  	v23 =	vld.idx.msk [tilespmem:v33+s14+$0x0], $0xffff  }
0x2dc: {  	v24 =	vperm.xlane v22, v0  }
0x2dd: {  	v36, _, _ =	vpop (xrf2)  }
0x2de: {  	vm10 =	veq.s32 v18, $0x0;
	v24 =	vadd.f32 v24, v36  }
0x2df: {  	v19 =	vsel vm10, $0x0, v19  }
0x2e0: {  	v25 =	vperm.xlane v24, v0;
	v23 =	vsub.f32 v23, v19  }
0x2e1: {  	v21 =	vsub.f32 $0.0e+00, v21;
	v26, _, _ =	vpop (xrf2)  }
0x2e2: {  	v22 =	vsub.f32 $0.0e+00, v22;
	v25 =	vadd.f32 v25, v26;
	vm11 =	vlt.f32 v23, $9.999999740e-06  }
0x2e3: {  	v21 =	vmul.f32 $1.442695020e+00, v21;
	v24 =	vsub.f32 $0.0e+00, v24;
	v23 =	vsel vm11, $0x3F800000, v23  }
0x2e4: {  	v22 =	vmul.f32 $1.442695020e+00, v22;
	v37 =	vsub.f32 $0.0e+00, v25;
	(erf) = vrcp.f32 v23  }
0x2e5: {  	v38 =	vmul.f32 $1.442695020e+00, v24;
	(erf) = vpow2.f32 v21  }
0x2e6: {  	v39 =	vmul.f32 $1.442695020e+00, v37;
	(erf) = vpow2.f32 v22  }
0x2e7: {  	(erf) = vpow2.f32 v38  }
0x2e8: {  	(erf) = vpow2.f32 v39;
	_ =	sdelay $0x4  }
0x2e9: {  	v21 =	vpop (erf)  }
0x2ea: {  	v40 =	vpop (erf)  }
0x2eb: {  	v41 =	vpop (erf)  }
0x2ec: {  	v42 =	vpop (erf)  }
0x2ed: {  	v43 =	vpop (erf)  }
0x2ee: {  	v44 =	vperm.xlane v43, v0;
	_ =	sdelay $0x1  }
0x2ef: {  	v26 =	vsub.f32 $1.000000000e+00, v44;
	_ =	sdelay $0x1  }
0x2f0: {  	v27 =	vsub.f32 $9.999999740e-06, v26;
	_ =	sdelay $0x1  }
0x2f1: {  	v27 =	vmax.f32 v27, $0.0e+00  }
0x2f2: {  	v26 =	vadd.f32 v27, v26;
	_ =	sdelay $0x1  }
0x2f3: {  	(erf) = vrcp.f32 v26;
	_ =	sdelay $0x3  }
0x2f4: {  	v45 =	vmul.f32 $1.562500000e-02, v27;
	_ =	sdelay $0x1  }
0x2f5: {  	v22 =	vsub.f32 $1.000000000e+00, v40;
	v27 =	vmul.f32 v1, v45  }
0x2f6: {  	v23 =	vsub.f32 $1.000000000e+00, v41;
	v28 =	vmul.f32 v2, v45  }
0x2f7: {  	v24 =	vsub.f32 $1.000000000e+00, v42;
	v46 =	vmul.f32 v3, v45;
	v22 =	vadd.f32 v27, v22  }
0x2f8: {  	v25 =	vsub.f32 $1.000000000e+00, v43;
	v26 =	vmul.f32 v4, v45;
	v23 =	vadd.f32 v28, v23;
	v29 =	vpop (erf)  }
0x2f9: {  	v24 =	vadd.f32 v46, v24;
	v22 =	vmul.f32 v22, v29  }
0x2fa: {  	v25 =	vadd.f32 v26, v25;
	v23 =	vmul.f32 v23, v29  }
0x2fb: {  	s30 =	sadd.s32 $0xFFFFFFF9, s20;
	v24 =	vmul.f32 v24, v29;
	v22 =	vmin.f32 v22, $1.000000000e+00  }
0x2fc: {  	s31 =	sor.u32 $0x50, s30;
	v48 =	vmul.f32 v25, v29;
	v47 =	vmin.f32 v23, $1.000000000e+00;
	[tilespmem:s25+$0x40] =	vst v22  }
0x2fd: {  	s6 =	sor.u32 $0x60, s30;
	v49 =	vmin.f32 v24, $1.000000000e+00;
	[tilespmem:s31+$0x10000] =	vst v47  }
0x2fe: {  	v23 =	vmin.f32 v48, $1.000000000e+00;
	s31 =	sor.u32 $0x70, s30;
	[tilespmem:s6+$0x10000] =	vst v49  }
0x2ff: {  	[tilespmem:s31+$0x10000] =	vst v23  }
0x300: {  	v50 =	vld [tilespmem:s22+$0x80];
	_ =	sdelay $0x2  }
0x301: {  	v51 =	vperm.xlane v22, v0;
	v52 =	vperm.xlane v47, v0  }
0x302: {  	v53 =	vperm.xlane v49, v0  }
0x303: {  	vm12 =	vle.f32 v51, v50;
	vm13 =	vle.f32 v52, v50  }
0x304: {  	vm14 =	vle.f32 v53, v50;
	v54 =	vsel vm12, $0x10, v5;
	v55 =	vsel vm13, $0x10, v5  }
0x305: {  	v56 =	vsel vm14, $0x10, v5;
	v25 =	vadd.s32 v55, v54  }
0x306: {  	v25 =	vadd.s32 v56, v25  }
0x307: {  	v26 =	vadd.s32 s20, v25;
	_ =	sdelay $0x4  }
0x308: {  	v26 =	vld.idx.msk [tilespmem:v26+s14+$0x0], $0xffff;
	_ =	sdelay $0x4  }
0x309: {  	v57 =	vor.u32 $0x8, v25;
	vm15 =	vle.f32 v26, v50  }
0x30a: {  	s0 =	sadd.s32 $0xFFFFFFFC, s20;
	v25 =	vsel vm15, v57, v25  }
0x30b: {  	v26 =	vadd.s32 s0, v25;
	_ =	sdelay $0x4  }
0x30c: {  	v26 =	vld.idx.msk [tilespmem:v26+s14+$0x0], $0xffff;
	_ =	sdelay $0x4  }
0x30d: {  	v58 =	vor.u32 $0x4, v25;
	vm4 =	vle.f32 v26, v50  }
0x30e: {  	s6 =	sadd.s32 $0xFFFFFFFA, s20;
	v25 =	vsel vm4, v58, v25  }
0x30f: {  	v26 =	vadd.s32 s6, v25;
	_ =	sdelay $0x4  }
0x310: {  	v26 =	vld.idx.msk [tilespmem:v26+s14+$0x0], $0xffff;
	_ =	sdelay $0x4  }
0x311: {  	v59 =	vadd.s32 $0x2, v25;
	vm5 =	vle.f32 v26, v50  }
0x312: {  	v25 =	vsel vm5, v59, v25  }
0x313: {  	v26 =	vadd.s32 s30, v25;
	_ =	sdelay $0x4  }
0x314: {  	v26 =	vld.idx.msk [tilespmem:v26+s14+$0x0], $0xffff;
	_ =	sdelay $0x4  }
0x315: {  	vm6 =	vle.f32 v26, v50  }
0x316: {  	v26 =	vsel vm6, $0x1, v5  }
0x317: {  	v25 =	vadd.s32 v26, v25  }
0x318: {  	v26 =	vadd.s32 s30, v25;
	_ =	sdelay $0x4  }
0x319: {  	v26 =	vld.idx.msk [tilespmem:v26+s14+$0x0], $0xffff;
	_ =	sdelay $0x4  }
0x31a: {  	vm7 =	vle.f32 v26, v50  }
0x31b: {  	v26 =	vsel vm7, $0x1, v5  }
0x31c: {  	v25 =	vadd.s32 v26, v25  }
0x31d: {  	v26 =	vmax.u32 v25, $0x1  }
0x31e: {  	v26 =	vsub.s32 v26, v6  }
0x31f: {  	v60 =	vmin.u32 v25, $0x3F;
	v26 =	vadd.s32 s30, v26  }
0x320: {  	v61 =	vor.u32 s30, v60;
	_ =	sdelay $0x3  }
0x321: {  	v26 =	vld.idx.msk [tilespmem:v26+s14+$0x0], $0xffff  }
0x322: {  	v29 =	vld.idx.msk [tilespmem:v61+s14+$0x0], $0xffff;
	_ =	sdelay $0x2  }
0x323: {  	vm8 =	veq.s32 v25, $0x0  }
0x324: {  	v26 =	vsel vm8, $0x0, v26  }
0x325: {  	v29 =	vsub.f32 v29, v26;
	_ =	sdelay $0x1  }
0x326: {  	s31 =	sadd.s32 $0x180, s26;
	vm9 =	vlt.f32 v29, $9.999999740e-06  }
0x327: {  	v25 =	vor.u32 s31, v25;
	v28 =	vor.u32 s31, v60;
	v29 =	vsel vm9, $0x3F800000, v29  }
0x328: {  	v28 =	vadd.s32 $0x1, v28;
	(erf) = vrcp.f32 v29;
	_ =	sdelay $0x3  }
0x329: {  	v25 =	vld.idx.msk [tilespmem:v25+s12+$0x0], $0xffff  }
0x32a: {  	v28 =	vld.idx.msk [tilespmem:v28+s12+$0x0], $0xffff;
	_ =	sdelay $0x2  }
0x32b: {  	v26 =	vsub.f32 v50, v26  }
0x32c: {  	v62 =	vpop (erf)  }
0x32d: {  	v63 =	vsub.f32 v28, v25;
	v26 =	vmul.f32 v62, v26;
	_ =	sdelay $0x1  }
0x32e: {  	v26 =	vmul.f32 v26, v63;
	_ =	sdelay $0x1  }
0x32f: {  	v25 =	vadd.f32 v26, v25;
	_ =	sdelay $0x1  }
0x330: {  	[tilespmem:s21+$0x80] =	vst v25  }
0x331: {  	v25 =	vld [tilespmem:s22+$0x90];
	_ =	sdelay $0x4  }
0x332: {  	vm10 =	vle.f32 v51, v25;
	vm11 =	vle.f32 v52, v25  }
0x333: {  	vm12 =	vle.f32 v53, v25;
	v30 =	vsel vm10, $0x10, v5;
	v31 =	vsel vm11, $0x10, v5  }
0x334: {  	v32 =	vsel vm12, $0x10, v5;
	v26 =	vadd.s32 v31, v30  }
0x335: {  	v26 =	vadd.s32 v32, v26  }
0x336: {  	v27 =	vadd.s32 s20, v26;
	_ =	sdelay $0x4  }
0x337: {  	v27 =	vld.idx.msk [tilespmem:v27+s14+$0x0], $0xffff;
	_ =	sdelay $0x4  }
0x338: {  	v33 =	vor.u32 $0x8, v26;
	vm13 =	vle.f32 v27, v25  }
0x339: {  	v26 =	vsel vm13, v33, v26  }
0x33a: {  	v27 =	vadd.s32 s0, v26;
	_ =	sdelay $0x4  }
0x33b: {  	v27 =	vld.idx.msk [tilespmem:v27+s14+$0x0], $0xffff;
	_ =	sdelay $0x4  }
0x33c: {  	v34 =	vor.u32 $0x4, v26;
	vm14 =	vle.f32 v27, v25  }
0x33d: {  	v26 =	vsel vm14, v34, v26  }
0x33e: {  	v27 =	vadd.s32 s6, v26;
	_ =	sdelay $0x4  }
0x33f: {  	v27 =	vld.idx.msk [tilespmem:v27+s14+$0x0], $0xffff;
	_ =	sdelay $0x4  }
0x340: {  	v35 =	vadd.s32 $0x2, v26;
	vm15 =	vle.f32 v27, v25  }
0x341: {  	v26 =	vsel vm15, v35, v26  }
0x342: {  	v27 =	vadd.s32 s30, v26;
	_ =	sdelay $0x4  }
0x343: {  	v27 =	vld.idx.msk [tilespmem:v27+s14+$0x0], $0xffff;
	_ =	sdelay $0x4  }
0x344: {  	vm4 =	vle.f32 v27, v25  }
0x345: {  	v27 =	vsel vm4, $0x1, v5  }
0x346: {  	v26 =	vadd.s32 v27, v26  }
0x347: {  	v27 =	vadd.s32 s30, v26;
	_ =	sdelay $0x4  }
0x348: {  	v27 =	vld.idx.msk [tilespmem:v27+s14+$0x0], $0xffff;
	_ =	sdelay $0x4  }
0x349: {  	vm5 =	vle.f32 v27, v25  }
0x34a: {  	v27 =	vsel vm5, $0x1, v5  }
0x34b: {  	v26 =	vadd.s32 v27, v26  }
0x34c: {  	v27 =	vmax.u32 v26, $0x1  }
0x34d: {  	v27 =	vsub.s32 v27, v6  }
0x34e: {  	v36 =	vmin.u32 v26, $0x3F;
	v27 =	vadd.s32 s30, v27  }
0x34f: {  	v37 =	vor.u32 s30, v36;
	_ =	sdelay $0x3  }
0x350: {  	v27 =	vld.idx.msk [tilespmem:v27+s14+$0x0], $0xffff  }
0x351: {  	v29 =	vld.idx.msk [tilespmem:v37+s14+$0x0], $0xffff;
	_ =	sdelay $0x2  }
0x352: {  	vm6 =	veq.s32 v26, $0x0  }
0x353: {  	v27 =	vsel vm6, $0x0, v27  }
0x354: {  	v29 =	vsub.f32 v29, v27;
	_ =	sdelay $0x1  }
0x355: {  	vm7 =	vlt.f32 v29, $9.999999740e-06  }
0x356: {  	v26 =	vor.u32 s31, v26;
	v28 =	vor.u32 s31, v36;
	v29 =	vsel vm7, $0x3F800000, v29  }
0x357: {  	v28 =	vadd.s32 $0x1, v28;
	(erf) = vrcp.f32 v29;
	_ =	sdelay $0x3  }
0x358: {  	v26 =	vld.idx.msk [tilespmem:v26+s12+$0x0], $0xffff  }
0x359: {  	v28 =	vld.idx.msk [tilespmem:v28+s12+$0x0], $0xffff;
	_ =	sdelay $0x2  }
0x35a: {  	v25 =	vsub.f32 v25, v27  }
0x35b: {  	v38 =	vpop (erf)  }
0x35c: {  	v39 =	vsub.f32 v28, v26;
	v25 =	vmul.f32 v38, v25;
	_ =	sdelay $0x1  }
0x35d: {  	v25 =	vmul.f32 v25, v39;
	_ =	sdelay $0x1  }
0x35e: {  	v25 =	vadd.f32 v25, v26;
	_ =	sdelay $0x1  }
0x35f: {  	[tilespmem:s21+$0x90] =	vst v25  }
0x360: {  	v25 =	vld [tilespmem:s22+$0xA0];
	_ =	sdelay $0x4  }
0x361: {  	vm8 =	vle.f32 v51, v25;
	vm9 =	vle.f32 v52, v25  }
0x362: {  	vm10 =	vle.f32 v53, v25;
	v40 =	vsel vm8, $0x10, v5;
	v41 =	vsel vm9, $0x10, v5  }
0x363: {  	v42 =	vsel vm10, $0x10, v5;
	v26 =	vadd.s32 v41, v40  }
0x364: {  	v26 =	vadd.s32 v42, v26  }
0x365: {  	v27 =	vadd.s32 s20, v26;
	_ =	sdelay $0x4  }
0x366: {  	v27 =	vld.idx.msk [tilespmem:v27+s14+$0x0], $0xffff;
	_ =	sdelay $0x4  }
0x367: {  	v43 =	vor.u32 $0x8, v26;
	vm11 =	vle.f32 v27, v25  }
0x368: {  	v26 =	vsel vm11, v43, v26  }
0x369: {  	v27 =	vadd.s32 s0, v26;
	_ =	sdelay $0x4  }
0x36a: {  	v27 =	vld.idx.msk [tilespmem:v27+s14+$0x0], $0xffff;
	_ =	sdelay $0x4  }
0x36b: {  	v44 =	vor.u32 $0x4, v26;
	vm12 =	vle.f32 v27, v25  }
0x36c: {  	v26 =	vsel vm12, v44, v26  }
0x36d: {  	v27 =	vadd.s32 s6, v26;
	_ =	sdelay $0x4  }
0x36e: {  	v27 =	vld.idx.msk [tilespmem:v27+s14+$0x0], $0xffff;
	_ =	sdelay $0x4  }
0x36f: {  	v45 =	vadd.s32 $0x2, v26;
	vm13 =	vle.f32 v27, v25  }
0x370: {  	v26 =	vsel vm13, v45, v26  }
0x371: {  	v27 =	vadd.s32 s30, v26;
	_ =	sdelay $0x4  }
0x372: {  	v27 =	vld.idx.msk [tilespmem:v27+s14+$0x0], $0xffff;
	_ =	sdelay $0x4  }
0x373: {  	vm14 =	vle.f32 v27, v25  }
0x374: {  	v27 =	vsel vm14, $0x1, v5  }
0x375: {  	v26 =	vadd.s32 v27, v26  }
0x376: {  	v27 =	vadd.s32 s30, v26;
	_ =	sdelay $0x4  }
0x377: {  	v27 =	vld.idx.msk [tilespmem:v27+s14+$0x0], $0xffff;
	_ =	sdelay $0x4  }
0x378: {  	vm15 =	vle.f32 v27, v25  }
0x379: {  	v27 =	vsel vm15, $0x1, v5  }
0x37a: {  	v26 =	vadd.s32 v27, v26  }
0x37b: {  	v27 =	vmax.u32 v26, $0x1  }
0x37c: {  	v27 =	vsub.s32 v27, v6  }
0x37d: {  	v46 =	vmin.u32 v26, $0x3F;
	v27 =	vadd.s32 s30, v27  }
0x37e: {  	v47 =	vor.u32 s30, v46;
	_ =	sdelay $0x3  }
0x37f: {  	v27 =	vld.idx.msk [tilespmem:v27+s14+$0x0], $0xffff  }
0x380: {  	v29 =	vld.idx.msk [tilespmem:v47+s14+$0x0], $0xffff;
	_ =	sdelay $0x2  }
0x381: {  	vm4 =	veq.s32 v26, $0x0  }
0x382: {  	v27 =	vsel vm4, $0x0, v27  }
0x383: {  	v29 =	vsub.f32 v29, v27;
	_ =	sdelay $0x1  }
0x384: {  	vm5 =	vlt.f32 v29, $9.999999740e-06  }
0x385: {  	v26 =	vor.u32 s31, v26;
	v28 =	vor.u32 s31, v46;
	v29 =	vsel vm5, $0x3F800000, v29  }
0x386: {  	v28 =	vadd.s32 $0x1, v28;
	(erf) = vrcp.f32 v29;
	_ =	sdelay $0x3  }
0x387: {  	v26 =	vld.idx.msk [tilespmem:v26+s12+$0x0], $0xffff  }
0x388: {  	v28 =	vld.idx.msk [tilespmem:v28+s12+$0x0], $0xffff;
	_ =	sdelay $0x2  }
0x389: {  	v25 =	vsub.f32 v25, v27  }
0x38a: {  	v48 =	vpop (erf)  }
0x38b: {  	v49 =	vsub.f32 v28, v26;
	v25 =	vmul.f32 v48, v25;
	_ =	sdelay $0x1  }
0x38c: {  	v25 =	vmul.f32 v25, v49;
	_ =	sdelay $0x1  }
0x38d: {  	v25 =	vadd.f32 v25, v26;
	_ =	sdelay $0x1  }
0x38e: {  	[tilespmem:s21+$0xA0] =	vst v25  }
0x38f: {  	v25 =	vld [tilespmem:s22+$0xB0];
	_ =	sdelay $0x4  }
0x390: {  	vm6 =	vle.f32 v51, v25;
	vm7 =	vle.f32 v52, v25  }
0x391: {  	vm8 =	vle.f32 v53, v25;
	v23 =	vsel vm6, $0x10, v5;
	v24 =	vsel vm7, $0x10, v5  }
0x392: {  	v51 =	vsel vm8, $0x10, v5;
	v50 =	vadd.s32 v24, v23  }
0x393: {  	v22 =	vadd.s32 v51, v50  }
0x394: {  	v23 =	vadd.s32 s20, v22;
	_ =	sdelay $0x4  }
0x395: {  	v23 =	vld.idx.msk [tilespmem:v23+s14+$0x0], $0xffff;
	_ =	sdelay $0x4  }
0x396: {  	v52 =	vor.u32 $0x8, v22;
	vm9 =	vle.f32 v23, v25  }
0x397: {  	v22 =	vsel vm9, v52, v22  }
0x398: {  	v23 =	vadd.s32 s0, v22;
	_ =	sdelay $0x4  }
0x399: {  	v23 =	vld.idx.msk [tilespmem:v23+s14+$0x0], $0xffff;
	_ =	sdelay $0x4  }
0x39a: {  	v53 =	vor.u32 $0x4, v22;
	vm10 =	vle.f32 v23, v25  }
0x39b: {  	v22 =	vsel vm10, v53, v22  }
0x39c: {  	v23 =	vadd.s32 s6, v22;
	_ =	sdelay $0x4  }
0x39d: {  	v23 =	vld.idx.msk [tilespmem:v23+s14+$0x0], $0xffff;
	_ =	sdelay $0x4  }
0x39e: {  	v54 =	vadd.s32 $0x2, v22;
	vm11 =	vle.f32 v23, v25  }
0x39f: {  	v22 =	vsel vm11, v54, v22  }
0x3a0: {  	v23 =	vadd.s32 s30, v22;
	_ =	sdelay $0x4  }
0x3a1: {  	v23 =	vld.idx.msk [tilespmem:v23+s14+$0x0], $0xffff;
	_ =	sdelay $0x4  }
0x3a2: {  	vm12 =	vle.f32 v23, v25  }
0x3a3: {  	v23 =	vsel vm12, $0x1, v5  }
0x3a4: {  	v22 =	vadd.s32 v23, v22  }
0x3a5: {  	v23 =	vadd.s32 s30, v22;
	_ =	sdelay $0x4  }
0x3a6: {  	v23 =	vld.idx.msk [tilespmem:v23+s14+$0x0], $0xffff;
	_ =	sdelay $0x4  }
0x3a7: {  	vm13 =	vle.f32 v23, v25  }
0x3a8: {  	v23 =	vsel vm13, $0x1, v5  }
0x3a9: {  	v22 =	vadd.s32 v23, v22  }
0x3aa: {  	v23 =	vmax.u32 v22, $0x1  }
0x3ab: {  	v23 =	vsub.s32 v23, v6  }
0x3ac: {  	v55 =	vmin.u32 v22, $0x3F;
	v23 =	vadd.s32 s30, v23  }
0x3ad: {  	v56 =	vor.u32 s30, v55;
	_ =	sdelay $0x3  }
0x3ae: {  	v23 =	vld.idx.msk [tilespmem:v23+s14+$0x0], $0xffff  }
0x3af: {  	v26 =	vld.idx.msk [tilespmem:v56+s14+$0x0], $0xffff;
	_ =	sdelay $0x1  }
0x3b0: {  	v9 =	vor.u32 s26, v9;
	v10 =	vor.u32 s26, v10  }
0x3b1: {  	v10 =	vadd.s32 $0x1, v10;
	vm14 =	veq.s32 v22, $0x0  }
0x3b2: {  	v14 =	vor.u32 s28, v14;
	v15 =	vor.u32 s28, v15;
	v23 =	vsel vm14, $0x0, v23  }
0x3b3: {  	v15 =	vadd.s32 $0x1, v15;
	v26 =	vsub.f32 v26, v23  }
0x3b4: {  	v18 =	vor.u32 s29, v18;
	v20 =	vor.u32 s29, v20  }
0x3b5: {  	v9 =	vld.idx.msk [tilespmem:v9+s12+$0x0], $0xffff;
	v20 =	vadd.s32 $0x1, v20;
	vm15 =	vlt.f32 v26, $9.999999740e-06  }
0x3b6: {  	v10 =	vld.idx.msk [tilespmem:v10+s12+$0x0], $0xffff;
	v22 =	vor.u32 s31, v22;
	v24 =	vor.u32 s31, v55;
	v26 =	vsel vm15, $0x3F800000, v26  }
0x3b7: {  	v14 =	vld.idx.msk [tilespmem:v14+s12+$0x0], $0xffff;
	v24 =	vadd.s32 $0x1, v24;
	(erf) = vrcp.f32 v26  }
0x3b8: {  	v15 =	vld.idx.msk [tilespmem:v15+s12+$0x0], $0xffff  }
0x3b9: {  	v18 =	vld.idx.msk [tilespmem:v18+s12+$0x0], $0xffff  }
0x3ba: {  	v20 =	vld.idx.msk [tilespmem:v20+s12+$0x0], $0xffff  }
0x3bb: {  	v22 =	vld.idx.msk [tilespmem:v22+s12+$0x0], $0xffff  }
0x3bc: {  	v7 =	vsub.f32 v7, v8;
	v8 =	vld.idx.msk [tilespmem:v24+s12+$0x0], $0xffff  }
0x3bd: {  	v12 =	vsub.f32 v12, v13  }
0x3be: {  	v10 =	vsub.f32 v10, v9;
	v7 =	vmul.f32 v11, v7;
	v57 =	vsub.f32 v17, v19  }
0x3bf: {  	v15 =	vsub.f32 v15, v14;
	v12 =	vmul.f32 v16, v12;
	v58 =	vsub.f32 v25, v23  }
0x3c0: {  	v7 =	vmul.f32 v7, v10;
	v59 =	vmul.f32 v21, v57;
	v60 =	vsub.f32 v20, v18;
	v61 =	vpop (erf)  }
0x3c1: {  	v12 =	vmul.f32 v12, v15;
	v8 =	vsub.f32 v8, v22;
	v13 =	vmul.f32 v61, v58  }
0x3c2: {  	p0 =	slt.u32 s19, $0x7C;
	v7 =	vadd.f32 v7, v9;
	v62 =	vmul.f32 v59, v60  }
.Ltmp0:
0x3c3: {  	v63 =	vadd.f32 v12, v14;
	v8 =	vmul.f32 v13, v8;
	(pc) =	sbr.rel @p0 .LBB2_3-.Ltmp0, $4  }
0x3c4: {  	[tilespmem:s21+$0xFFFFFF30] =	vst v7;
	v7 =	vadd.f32 v62, v18  }
0x3c5: {  	s19 =	sadd.s32 $0x4, s19;
	[tilespmem:s21+$0xFFFFFFB0] =	vst v63;
	v8 =	vadd.f32 v8, v22  }
0x3c6: {  	s24 =	sadd.s32 $0x200, s24;
	s23 =	sadd.s32 $0x200, s23;
	s25 =	sadd.s32 $0x100, s25;
	[tilespmem:s21+$0x30] =	vst v7  }
0x3c7: {  	s22 =	sadd.s32 $0x200, s22;
	s20 =	sadd.s32 $0x100, s20;
	[tilespmem:s21+$0xB0] =	vst v8;
	s21 =	sadd.s32 $0x200, s21  }
0x3c8: {  	s17 =	sadd.s32 $0x1, s17  }
0x3c9: {  	p0 =	sne.s32 s17, $0x4  }
.Ltmp1:
0x3ca: {  	s0 =	sadd.s32 s7, s18;
	(pc) =	sbr.rel @p0 .LBB2_2-.Ltmp1, $4  }
0x3cb: {  	[hbm4b:s0+s1] =	stream.linear.scatter [tilespmem:s15], [sflag:$0x1], $0x4000, $0x38;
	[tilespmem:$0x16000] =	vst v63  }
0x3cc: {  	_ =	swait.ge [sflag:s10], $0x4000  }
0x3cd: {  	[sflag:s10] =	ssyncset.done $0x0  }
0x3ce: {  	[sflag:s10] =	ssyncadd.s32 $0xFFFFC000  }
0x3cf: {  	s16 =	sadd.s32 $0x1, s16  }
0x3d0: {  	p0 =	sne.s32 s16, s9  }
.Ltmp2:
0x3d1: {  	_ = 	snop;
	(pc) =	sbr.rel @p0 .LBB2_1-.Ltmp2, $1  }
0x3d2: {  	_ =	sdelay $0x3  }
0x3d3: {  	_ =	sfence.sel $0x180000  }
0x3d4: {  	[bflag:$0x0] =	sbarrier.arrive $0xFFFF  }
0x3d5: {  	_ =	strace $0x90000047  }
0x3d6: {  	s0 =	stileid.u32;
	[bflag:$0x2] =	sbarrier.arrive $0xFFFF  }
0x3d7: {  	p0 =	sne.s32 s0, $0x0;
	s0 =	rddreg [dreg:$0x1]  }
0x3d8: {  	s0 =	sadd.s32 @!p0 $0x100000, s0  }
0x3d9: {  	[sflag:s0] =	ssyncadd.tile.s32 @!p0 $0x1;
	_ =	shalt  }
.Lfunc_end2:
_tile_overlayer_lowered:
.L_overlay_start_2:
0x3da: {  	(tag) =	ssettag $0x2  }
0x3db: {  	s0 =	rddreg [dreg:$0x0];
	s2 =	stileid.u32  }
0x3dc: {  	s1 =	rddreg [dreg:$0x1];
	p0 =	sne.s32 s2, $0x0  }
0x3dd: {  	s3 =	rddreg [dreg:$0x2];
	[bflag:$0x3] =	sbarrier.arrive $0xFFFF;
	s2 =	simm.s32 @!p0 $0x1C01  }
0x3de: {  	[timem:s3], [sflag:s2] =	dma.local @!p0 [hbm:s0], s1  }
0x3df: {  	s0 =	simm.s32 @!p0 $0x1  }
0x3e0: {  	_ =	swait.ge @!p0 [sflag:s0], s1  }
0x3e1: {  	s1 =	ssub.s32 @!p0 $0x0, s1;
	[sflag:s0] =	ssyncset.done @!p0 $0x0  }
0x3e2: {  	[sflag:s0] =	ssyncadd.s32 @!p0 s1  }
0x3e3: {  	[bflag:$0x3] =	sbarrier.arrive $0xFFFF  }
0x3e4: {  	_ =	shalt  }

</sc_bundles>
